<compile_context>
chip_gen: v7x
topology: tpu7x:2x2x1
jax: 0.10.2.dev20260603
libtpu: 0.0.44.dev20260713+nightly
codegen_flags: <defaults>
</compile_context>

<pallas_src>
import functools

import numpy as np

import jax
import jax.numpy as jnp
from jax import lax
from jax.experimental import pallas as pl
from jax.experimental.pallas import tpu as pltpu
from jax.experimental.pallas import tpu_sc as plsc

_CUTOFF = 8.0
_WIDTH = 0.5
_RBF_N = 64
_H = 64
_HH = 32

_N = 50000
_NP = 50176
_NPS = 3136
_E = 800000
_B = 256

_NB = 2000
_EB = 2000
_K = 128
_NSUB = 16
_NCHT = _E // _K
_NCHF = _NCHT // _NSUB
_NCHR = _NCHT - _NCHF * _NSUB
_ZR = 98

_P5 = (0.030449004538683766, -0.1315818250887885, 0.28527268109058584,
       -0.4902307234234099, 0.9992354838332749, 9.975032552137188e-06)


def _softplus16(x, bias):
    z = jnp.exp(-jnp.abs(x))
    p = jnp.float32(_P5[0])
    for c in _P5[1:]:
        p = p * z + jnp.float32(c)
    return jnp.maximum(x, 0.0) + p + bias


def _sc_edge_body(lidx,
                  row_hbm, col_hbm, tbl_hbm, eproj_hbm, mb2p_hbm, out_hbm,
                  idxr, idxc, idxr2, idxc2, bufA, bufB, bufC, bufS, zbuf,
                  mbv, S_sh, semA, semB):
    c = lax.axis_index("c")
    s = lax.axis_index("s")
    zv = jnp.zeros((16,), jnp.float32)

    def zrow(i, carry):
        zbuf[i, pl.ds(0, 16)] = zv
        zbuf[i, pl.ds(16, 16)] = zv
        return carry

    lax.fori_loop(0, _ZR, zrow, 0)

    def zcp(t, carry):
        pltpu.sync_copy(zbuf, S_sh.at[pl.ds(s * _NPS + t * _ZR, _ZR), :])
        return carry

    lax.fori_loop(0, 32, zcp, 0)
    pltpu.sync_copy(mb2p_hbm.at[pl.ds(c * _HH, _HH)], mbv)
    plsc.subcore_barrier()

    mb_lo = mbv[pl.ds(0, 16)]
    mb_hi = mbv[pl.ds(16, 16)]
    off_a = c * _NP
    off_b = (2 + c) * _NP
    slab = 2 * lidx + c

    def chunk(j, carry):
        @pl.when((j < _NCHF) | (s < _NCHR))
        def _():
            base = (j * _NSUB + s) * _K
            pltpu.sync_copy(row_hbm.at[pl.ds(base, _K)], idxr)
            pltpu.sync_copy(col_hbm.at[pl.ds(base, _K)], idxc)

            def adj(i, cc):
                o = i * 16
                idxr2[pl.ds(o, 16)] = idxr[pl.ds(o, 16)] + off_a
                idxc2[pl.ds(o, 16)] = idxc[pl.ds(o, 16)] + off_b
                return cc

            lax.fori_loop(0, _K // 16, adj, 0)
            cpA = pltpu.async_copy(tbl_hbm.at[idxr2], bufA, semA)
            cpB = pltpu.async_copy(tbl_hbm.at[idxc2], bufB, semB)
            pltpu.sync_copy(eproj_hbm.at[slab, pl.ds(base, _K), :], bufC)
            cpA.wait()
            cpB.wait()

            def comp(e, cc):
                x0 = bufA[e, pl.ds(0, 16)] + bufB[e, pl.ds(0, 16)] + bufC[e, pl.ds(0, 16)]
                bufS[e, pl.ds(0, 16)] = _softplus16(x0, mb_lo)
                x1 = bufA[e, pl.ds(16, 16)] + bufB[e, pl.ds(16, 16)] + bufC[e, pl.ds(16, 16)]
                bufS[e, pl.ds(16, 16)] = _softplus16(x1, mb_hi)
                return cc

            lax.fori_loop(0, _K, comp, 0)
            pltpu.sync_copy(bufS, S_sh.at[idxr], add=True)
        return carry

    lax.fori_loop(0, _NCHF + 1, chunk, 0)
    plsc.subcore_barrier()
    pltpu.sync_copy(S_sh.at[pl.ds(s * _NPS, _NPS), :],
                    out_hbm.at[pl.ds(c * _NP + s * _NPS, _NPS), :])


@functools.partial(jax.jit, static_argnums=(0,))
def _sc_edge(lidx, row, col, tbl, eproj, mb2p):
    mesh = plsc.VectorSubcoreMesh(core_axis_name="c", subcore_axis_name="s")
    return pl.kernel(
        functools.partial(_sc_edge_body, lidx),
        out_type=jax.ShapeDtypeStruct((2 * _NP, _HH), jnp.float32),
        mesh=mesh,
        compiler_params=pltpu.CompilerParams(use_tc_tiling_on_sc=False),
        scratch_types=[
            pltpu.VMEM((_K,), jnp.int32),
            pltpu.VMEM((_K,), jnp.int32),
            pltpu.VMEM((_K,), jnp.int32),
            pltpu.VMEM((_K,), jnp.int32),
            pltpu.VMEM((_K, _HH), jnp.float32),
            pltpu.VMEM((_K, _HH), jnp.float32),
            pltpu.VMEM((_K, _HH), jnp.float32),
            pltpu.VMEM((_K, _HH), jnp.float32),
            pltpu.VMEM((_ZR, _HH), jnp.float32),
            pltpu.VMEM((_HH,), jnp.float32),
            pltpu.VMEM_SHARED((_NP, _HH), jnp.float32),
            pltpu.SemaphoreType.DMA,
            pltpu.SemaphoreType.DMA,
        ],
    )(row, col, tbl, eproj, mb2p)


def _proj_tbl(out_ref, hr, hc):
    out_ref[0] = hr[:, :_HH]
    out_ref[1] = hr[:, _HH:]
    out_ref[2] = hc[:, :_HH]
    out_ref[3] = hc[:, _HH:]


def _h0_body(nf_ref, aw_ref, ab_ref, wr_ref, wc_ref, h_ref, t_ref):
    h = jnp.dot(nf_ref[...], aw_ref[...], preferred_element_type=jnp.float32)
    h = h + ab_ref[...]
    h_ref[...] = h
    _proj_tbl(t_ref, jnp.dot(h, wr_ref[...], preferred_element_type=jnp.float32),
              jnp.dot(h, wc_ref[...], preferred_element_type=jnp.float32))


def _h0_call(nf, aw, ab, wr, wc):
    g = _N // _NB
    return pl.pallas_call(
        _h0_body,
        grid=(g,),
        in_specs=[
            pl.BlockSpec((_NB, 92), lambda i: (i, 0)),
            pl.BlockSpec((92, _H), lambda i: (0, 0)),
            pl.BlockSpec((1, _H), lambda i: (0, 0)),
            pl.BlockSpec((_H, _H), lambda i: (0, 0)),
            pl.BlockSpec((_H, _H), lambda i: (0, 0)),
        ],
        out_specs=[
            pl.BlockSpec((_NB, _H), lambda i: (i, 0)),
            pl.BlockSpec((4, _NB, _HH), lambda i: (0, i, 0)),
        ],
        out_shape=[
            jax.ShapeDtypeStruct((_N, _H), jnp.float32),
            jax.ShapeDtypeStruct((4, _NP, _HH), jnp.float32),
        ],
    )(nf, aw, ab, wr, wc)


def _eproj_body(ea_ref, wcat_ref, bcat_ref, out_ref):
    d2 = ea_ref[0]
    cj = lax.broadcasted_iota(jnp.int32, (_RBF_N, _EB), 0).astype(jnp.float32) * (
        _CUTOFF / (_RBF_N - 1))
    diff = (d2 - cj) * (1.0 / _WIDTH)
    g = jnp.exp(-0.5 * diff * diff)
    cut = 0.5 * (jnp.cos(np.pi / _CUTOFF * d2) + 1.0) * (d2 < _CUTOFF).astype(jnp.float32)
    erbf_t = g * cut
    eb = lax.dot_general(erbf_t, wcat_ref[...], (((0,), (0,)), ((), ())),
                         preferred_element_type=jnp.float32) + bcat_ref[...]
    for k in range(6):
        out_ref[k] = eb[:, k * _HH:(k + 1) * _HH]


def _eproj_call(ea2, wcat, bcat):
    g = _E // _EB
    return pl.pallas_call(
        _eproj_body,
        grid=(g,),
        in_specs=[
            pl.BlockSpec((1, 1, _EB), lambda i: (i, 0, 0)),
            pl.BlockSpec((_RBF_N, 192), lambda i: (0, 0)),
            pl.BlockSpec((1, 192), lambda i: (0, 0)),
        ],
        out_specs=pl.BlockSpec((6, _EB, _HH), lambda i: (0, i, 0)),
        out_shape=jax.ShapeDtypeStruct((6, _E, _HH), jnp.float32),
    )(ea2, wcat, bcat)


def _u1_body(s2_ref, h_ref, mw2_ref, uw1_ref, ub1_ref, uw2_ref, ub2_ref,
             u_ref, ssum_ref, ssq_ref):
    i = pl.program_id(0)
    s64 = jnp.concatenate([s2_ref[0], s2_ref[1]], axis=1)
    agg = jnp.dot(s64, mw2_ref[...], preferred_element_type=jnp.float32)
    comb = jnp.concatenate([h_ref[...], agg], axis=1)
    t = jax.nn.softplus(jnp.dot(comb, uw1_ref[...],
                                preferred_element_type=jnp.float32) + ub1_ref[...])
    u = jnp.dot(t, uw2_ref[...], preferred_element_type=jnp.float32) + ub2_ref[...]
    u_ref[...] = u
    rowmask = lax.broadcasted_iota(jnp.int32, (8, _H), 0) == 0
    su = jnp.broadcast_to(jnp.sum(u, axis=0, keepdims=True), (8, _H))
    sq = jnp.broadcast_to(jnp.sum(u * u, axis=0, keepdims=True), (8, _H))

    @pl.when(i == 0)
    def _():
        ssum_ref[...] = jnp.zeros((8, _H), jnp.float32)
        ssq_ref[...] = jnp.zeros((8, _H), jnp.float32)

    ssum_ref[...] += jnp.where(rowmask, su, 0.0)
    ssq_ref[...] += jnp.where(rowmask, sq, 0.0)


def _u1_call(s2, h, mw2, uw1, ub1, uw2, ub2):
    g = _N // _NB
    return pl.pallas_call(
        _u1_body,
        grid=(g,),
        in_specs=[
            pl.BlockSpec((2, _NB, _HH), lambda i: (0, i, 0)),
            pl.BlockSpec((_NB, _H), lambda i: (i, 0)),
            pl.BlockSpec((_H, _H), lambda i: (0, 0)),
            pl.BlockSpec((2 * _H, _H), lambda i: (0, 0)),
            pl.BlockSpec((1, _H), lambda i: (0, 0)),
            pl.BlockSpec((_H, _H), lambda i: (0, 0)),
            pl.BlockSpec((1, _H), lambda i: (0, 0)),
        ],
        out_specs=[
            pl.BlockSpec((_NB, _H), lambda i: (i, 0)),
            pl.BlockSpec((8, _H), lambda i: (0, 0)),
            pl.BlockSpec((8, _H), lambda i: (0, 0)),
        ],
        out_shape=[
            jax.ShapeDtypeStruct((_N, _H), jnp.float32),
            jax.ShapeDtypeStruct((8, _H), jnp.float32),
            jax.ShapeDtypeStruct((8, _H), jnp.float32),
        ],
    )(s2, h, mw2, uw1, ub1, uw2, ub2)


def _u2_body(h_ref, u_ref, sc_ref, sh_ref, wr_ref, wc_ref, h_out, t_ref):
    hn = h_ref[...] + u_ref[...] * sc_ref[...] + sh_ref[...]
    h_out[...] = hn
    _proj_tbl(t_ref, jnp.dot(hn, wr_ref[...], preferred_element_type=jnp.float32),
              jnp.dot(hn, wc_ref[...], preferred_element_type=jnp.float32))


def _u2_last_body(h_ref, u_ref, sc_ref, sh_ref, h_out):
    h_out[...] = h_ref[...] + u_ref[...] * sc_ref[...] + sh_ref[...]


def _u2_call(h, u, scale, shift, wr, wc):
    g = _N // _NB
    wspec = pl.BlockSpec((_H, _H), lambda i: (0, 0))
    nspec = pl.BlockSpec((_NB, _H), lambda i: (i, 0))
    vspec = pl.BlockSpec((1, _H), lambda i: (0, 0))
    if wr is None:
        return pl.pallas_call(
            _u2_last_body, grid=(g,),
            in_specs=[nspec, nspec, vspec, vspec],
            out_specs=nspec,
            out_shape=jax.ShapeDtypeStruct((_N, _H), jnp.float32),
        )(h, u, scale, shift)
    return pl.pallas_call(
        _u2_body, grid=(g,),
        in_specs=[nspec, nspec, vspec, vspec, wspec, wspec],
        out_specs=[nspec, pl.BlockSpec((4, _NB, _HH), lambda i: (0, i, 0))],
        out_shape=[
            jax.ShapeDtypeStruct((_N, _H), jnp.float32),
            jax.ShapeDtypeStruct((4, _NP, _HH), jnp.float32),
        ],
    )(h, u, scale, shift, wr, wc)


def _pool_body(h_ref, b_ref, sums_ref, cnts_ref, maxs_ref):
    i = pl.program_id(0)
    h = h_ref[...]
    b2 = b_ref[...]
    ohf = (b2 == lax.broadcasted_iota(jnp.int32, (_NB, _B), 1)).astype(jnp.float32)

    @pl.when(i == 0)
    def _():
        sums_ref[...] = jnp.zeros((_B, _H), jnp.float32)
        cnts_ref[...] = jnp.zeros((_B, 8), jnp.float32)
        maxs_ref[...] = jnp.full((_B, _H), -jnp.inf, jnp.float32)

    sums_ref[...] += lax.dot_general(ohf, h, (((0,), (0,)), ((), ())),
                                     preferred_element_type=jnp.float32)
    cnts_ref[...] += lax.dot_general(ohf, jnp.ones((_NB, 8), jnp.float32),
                                     (((0,), (0,)), ((), ())),
                                     preferred_element_type=jnp.float32)
    bmin = b2[0, 0]
    bmax = b2[_NB - 1, 0]

    def seg(j, carry):
        m = b2 == j
        pmax = jnp.max(jnp.where(m, h, -jnp.inf), axis=0, keepdims=True)
        maxs_ref[pl.ds(j, 1), :] = jnp.maximum(maxs_ref[pl.ds(j, 1), :], pmax)
        return carry

    lax.fori_loop(bmin, bmax + 1, seg, 0)


def _pool_call(h, b2):
    g = _N // _NB
    return pl.pallas_call(
        _pool_body,
        grid=(g,),
        in_specs=[
            pl.BlockSpec((_NB, _H), lambda i: (i, 0)),
            pl.BlockSpec((_NB, 1), lambda i: (i, 0)),
        ],
        out_specs=[
            pl.BlockSpec((_B, _H), lambda i: (0, 0)),
            pl.BlockSpec((_B, 8), lambda i: (0, 0)),
            pl.BlockSpec((_B, _H), lambda i: (0, 0)),
        ],
        out_shape=[
            jax.ShapeDtypeStruct((_B, _H), jnp.float32),
            jax.ShapeDtypeStruct((_B, 8), jnp.float32),
            jax.ShapeDtypeStruct((_B, _H), jnp.float32),
        ],
    )(h, b2)


def _head_body(sums_ref, cnts_ref, maxs_ref, w1_ref, b1_ref, w2_ref, b2_ref,
               ow_ref, ob_ref, o_ref):
    mean = sums_ref[...] / cnts_ref[:, 0:1]
    hp = jnp.concatenate([mean, maxs_ref[...]], axis=1)
    x = jax.nn.softplus(jnp.dot(hp, w1_ref[...],
                                preferred_element_type=jnp.float32) + b1_ref[...])
    x = jnp.dot(x, w2_ref[...], preferred_element_type=jnp.float32) + b2_ref[...]
    o_ref[...] = jnp.dot(x, ow_ref[...], preferred_element_type=jnp.float32) + ob_ref[...]


def _head_call(sums, cnts, maxs, p):
    return pl.pallas_call(
        _head_body,
        out_shape=jax.ShapeDtypeStruct((_B, 1), jnp.float32),
    )(sums, cnts, maxs,
      p["fc_w1"], p["fc_b1"].reshape(1, -1),
      p["fc_w2"], p["fc_b2"].reshape(1, -1),
      p["out_w"], p["out_b"].reshape(1, -1))


def kernel(node_features, edge_index, edge_attr, batch, params):
    p = params
    row = edge_index[0]
    col = edge_index[1]
    convs = p["convs"]

    wcat = jnp.concatenate([c["mw1"][2 * _H:] for c in convs], axis=1)
    bcat = jnp.concatenate([c["mb1"] for c in convs]).reshape(1, 192)
    eproj = _eproj_call(edge_attr.reshape(_E // _EB, 1, _EB), wcat, bcat)

    h, tbl = _h0_call(node_features, p["atom_w"], p["atom_b"].reshape(1, -1),
                      convs[0]["mw1"][:_H], convs[0]["mw1"][_H:2 * _H])

    for l, c in enumerate(convs):
        mb2p = jnp.linalg.solve(c["mw2"].T, c["mb2"])
        s_flat = _sc_edge(l, row, col, tbl.reshape(4 * _NP, _HH),
                          eproj, mb2p)
        u, ssum, ssq = _u1_call(s_flat.reshape(2, _NP, _HH), h, c["mw2"],
                                c["uw1"], c["ub1"].reshape(1, -1),
                                c["uw2"], c["ub2"].reshape(1, -1))
        mu = ssum[0] / _N
        var = ssq[0] / _N - mu * mu
        scale = c["bn_g"] / jnp.sqrt(var + 1e-5)
        shift = c["bn_b"] - mu * scale
        if l < 2:
            nc = convs[l + 1]
            h, tbl = _u2_call(h, u, scale.reshape(1, -1), shift.reshape(1, -1),
                              nc["mw1"][:_H], nc["mw1"][_H:2 * _H])
        else:
            h = _u2_call(h, u, scale.reshape(1, -1), shift.reshape(1, -1),
                         None, None)

    sums, cnts, maxs = _pool_call(h, batch.reshape(_N, 1))
    return _head_call(sums, cnts, maxs, p)

# --- scband reference (transcript-rebuilt; emitter-appended) ---
"""Pipeline reference for scband-cgcnn-7275674599846 (READ-ONLY COPY).

The authoritative reference and input builder live on the scoring server;
editing this copy changes nothing except your own understanding.
"""

import jax, jax.numpy as jnp
import numpy as np

N, E, IN_DIM, H, RBF_N, B = 50000, 800000, 92, 64, 64, 256
CUTOFF = 8.0
WIDTH = 0.5
NUM_LAYERS = 3


def _linear_params(key, fan_in, fan_out):
    k1, k2 = jax.random.split(key)
    w = jax.random.normal(k1, (fan_in, fan_out), jnp.float32) / np.sqrt(fan_in)
    b = jax.random.normal(k2, (fan_out,), jnp.float32) * 0.01
    return w, b


def setup_inputs(seed: int = 0) -> dict:
    key = jax.random.key(seed)
    ks = jax.random.split(key, 16)
    inp = {}
    inp["node_features"] = jax.random.normal(ks[0], (N, IN_DIM), jnp.float32)
    inp["edge_index"] = jax.random.randint(ks[1], (2, E), 0, N, dtype=jnp.int32)
    inp["edge_attr"] = jax.random.uniform(ks[2], (E,), jnp.float32)
    inp["batch"] = jnp.sort(jax.random.randint(ks[3], (N,), 0, B, dtype=jnp.int32))
    p = {}
    p["atom_w"], p["atom_b"] = _linear_params(ks[4], IN_DIM, H)
    convs = []
    for l in range(NUM_LAYERS):
        kk = jax.random.split(ks[5 + l], 4)
        c = {}
        c["mw1"], c["mb1"] = _linear_params(kk[0], H * 2 + RBF_N, H)
        c["mw2"], c["mb2"] = _linear_params(kk[1], H, H)
        c["uw1"], c["ub1"] = _linear_params(kk[2], H + H, H)
        c["uw2"], c["ub2"] = _linear_params(kk[3], H, H)
        c["bn_g"] = jnp.ones((H,), jnp.float32)
        c["bn_b"] = jnp.zeros((H,), jnp.float32)
        convs.append(c)
    p["convs"] = convs
    p["fc_w1"], p["fc_b1"] = _linear_params(ks[10], H * 2, H)
    p["fc_w2"], p["fc_b2"] = _linear_params(ks[11], H, H)
    p["out_w"], p["out_b"] = _linear_params(ks[12], H, 1)
    inp["params"] = p
    return inp


def _rbf_expand(d):
    centers = jnp.linspace(0.0, CUTOFF, RBF_N)
    diff = d[:, None] - centers[None, :]
    rbf = jnp.exp(-0.5 * (diff / WIDTH) ** 2)
    cut = 0.5 * (jnp.cos(np.pi * d / CUTOFF) + 1.0) * (d < CUTOFF).astype(d.dtype)
    return rbf * cut[:, None]


def _bn(x, g, b):
    mu = jnp.mean(x, axis=0)
    var = jnp.var(x, axis=0)
    return g * (x - mu) / jnp.sqrt(var + 1e-5) + b


def _conv(h, row, col, erbf, c):
    ef = jnp.concatenate([h[row], h[col], erbf], axis=-1)
    m = jax.nn.softplus(ef @ c["mw1"] + c["mb1"]) @ c["mw2"] + c["mb2"]
    agg = jnp.zeros_like(h).at[row].add(m)
    comb = jnp.concatenate([h, agg], axis=-1)
    upd = jax.nn.softplus(comb @ c["uw1"] + c["ub1"]) @ c["uw2"] + c["ub2"]
    return _bn(upd, c["bn_g"], c["bn_b"])


def _forward(node_features, edge_attr, params, edge_index, batch):
    h = node_features @ params["atom_w"] + params["atom_b"]
    erbf = _rbf_expand(edge_attr)
    row, col = edge_index[0], edge_index[1]
    for c in params["convs"]:
        h = h + _conv(h, row, col, erbf, c)
    sums = jax.ops.segment_sum(h, batch, num_segments=B)
    counts = jnp.bincount(batch, length=B).astype(h.dtype)
    h_mean = sums / counts[:, None]
    h_max = jax.ops.segment_max(h, batch, num_segments=B)
    h_pool = jnp.concatenate([h_mean, h_max], axis=-1)
    hr = jax.nn.softplus(h_pool @ params["fc_w1"] + params["fc_b1"]) @ params["fc_w2"] + params["fc_b2"]
    return hr @ params["out_w"] + params["out_b"]


def reference(node_features, edge_index, edge_attr, batch, params):
    return _forward(node_features, edge_attr, params, edge_index, batch)

if __name__ == "__main__":
    import jax
    _d = setup_inputs()
    print(jax.jit(kernel)(*tuple(_d.values())))

</pallas_src>

<mosaic_0001>
#map = affine_map<(d0, d1) -> (0)>
#map1 = affine_map<(d0, d1) -> (0, 0)>
#map2 = affine_map<(d0, d1) -> (0, 0, 0)>
module attributes {stable_mosaic.version = 14 : i64} {
  func.func @_sc_edge_body(%arg0: i32, %arg1: i32, %arg2: memref<800000xi32, #tpu.memory_space<hbm>>, %arg3: memref<800000xi32, #tpu.memory_space<hbm>>, %arg4: memref<200704x32xf32, #tpu.memory_space<hbm>>, %arg5: memref<6x800000x32xf32, #tpu.memory_space<hbm>>, %arg6: memref<64xf32, #tpu.memory_space<hbm>>, %arg7: memref<100352x32xf32, #tpu.memory_space<hbm>>, %arg8: memref<128xi32, #tpu.memory_space<vmem>>, %arg9: memref<128xi32, #tpu.memory_space<vmem>>, %arg10: memref<128xi32, #tpu.memory_space<vmem>>, %arg11: memref<128xi32, #tpu.memory_space<vmem>>, %arg12: memref<128x32xf32, #tpu.memory_space<vmem>>, %arg13: memref<128x32xf32, #tpu.memory_space<vmem>>, %arg14: memref<128x32xf32, #tpu.memory_space<vmem>>, %arg15: memref<128x32xf32, #tpu.memory_space<vmem>>, %arg16: memref<98x32xf32, #tpu.memory_space<vmem>>, %arg17: memref<32xf32, #tpu.memory_space<vmem>>, %arg18: memref<50176x32xf32, #tpu.memory_space<vmem_shared>>, %arg19: memref<!tpu.dma_semaphore, #tpu.memory_space<semaphore_mem>>, %arg20: memref<!tpu.dma_semaphore, #tpu.memory_space<semaphore_mem>>) attributes {dimension_semantics = [#tpu.dimension_semantics<core_parallel>, #tpu.dimension_semantics<subcore_parallel>], iteration_bounds = array<i64: 2, 16>, scalar_prefetch = 0 : i64, scratch_operands = 13 : i64, tpu.core_type = #tpu.core_type<sc_vector_subcore>, window_params = [{transform_indices = #map}, {transform_indices = #map}, {transform_indices = #map1}, {transform_indices = #map2}, {transform_indices = #map}, {transform_indices = #map1}]} {
    %broadcast_in_dim3A = arith.constant 0.000000e+00 : f32
    %broadcast_in_dim3A_0 = vector.broadcast %broadcast_in_dim3A : f32 to vector<16xf32>
    %scan3A = arith.constant 0 : i32
    %scan3A_1 = arith.constant 0 : i32
    %scan3A_2 = arith.constant 98 : i32
    %scan3A_3 = arith.addi %scan3A_1, %scan3A_2 : i32
    %scan3A_4 = arith.constant 1 : i32
    scf.for %scan3A_39 = %scan3A_1 to %scan3A_3 step %scan3A_4  : i32 {
      %swap3A = arith.index_cast %scan3A_39 : i32 to index
      %swap3A_40 = arith.constant 0 : index
      %swap3A_41 = tpu.vector_load %arg16[%swap3A, %swap3A_40] {strides = array<i32>} : memref<98x32xf32, #tpu.memory_space<vmem>>, vector<1x16xf32>,
      %swap3A_42 = vector.shape_cast %swap3A_41 : vector<1x16xf32> to vector<16xf32>
      %swap3A_43 = vector.shape_cast %broadcast_in_dim3A_0 : vector<16xf32> to vector<1x16xf32>
      tpu.vector_store %arg16[%swap3A, %swap3A_40], %swap3A_43 {strides = array<i32>} : memref<98x32xf32, #tpu.memory_space<vmem>>, vector<1x16xf32>,
      %swap3A_44 = arith.index_cast %scan3A_39 : i32 to index
      %swap3A_45 = arith.constant 16 : index
      %swap3A_46 = tpu.vector_load %arg16[%swap3A_44, %swap3A_45] {strides = array<i32>} : memref<98x32xf32, #tpu.memory_space<vmem>>, vector<1x16xf32>,
      %swap3A_47 = vector.shape_cast %swap3A_46 : vector<1x16xf32> to vector<16xf32>
      %swap3A_48 = vector.shape_cast %broadcast_in_dim3A_0 : vector<16xf32> to vector<1x16xf32>
      tpu.vector_store %arg16[%swap3A_44, %swap3A_45], %swap3A_48 {strides = array<i32>} : memref<98x32xf32, #tpu.memory_space<vmem>>, vector<1x16xf32>,
    }
    %scan3A_5 = arith.constant 98 : i32
    %scan3A_6 = arith.constant 0 : i32
    %scan3A_7 = arith.constant 0 : i32
    %scan3A_8 = arith.constant 32 : i32
    %scan3A_9 = arith.addi %scan3A_7, %scan3A_8 : i32
    %scan3A_10 = arith.constant 1 : i32
    scf.for %scan3A_39 = %scan3A_7 to %scan3A_9 step %scan3A_10  : i32 {
      %mul3A_40 = arith.constant 3136 : i32
      %mul3A_41 = arith.muli %arg1, %mul3A_40 : i32
      %mul3A_42 = arith.constant 98 : i32
      %mul3A_43 = arith.muli %scan3A_39, %mul3A_42 : i32
      %add3A_44 = arith.addi %mul3A_41, %mul3A_43 : i32
      "tpu.region"() ({
        %run_scoped3A = tpu.sem_alloc : memref<!tpu.dma_semaphore, #tpu.memory_space<semaphore_mem>>
        %dma_start3A = arith.constant 0 : i32
        %dma_start3A_45 = tpu.memref_slice %arg18[%add3A_44, %dma_start3A] : memref<50176x32xf32, #tpu.memory_space<vmem_shared>> -> memref<98x32xf32, #tpu.memory_space<vmem_shared>>
        %dma_start3A_46 = arith.constant 0 : i32
        %dma_start3A_47 = tpu.memref_slice %arg18[%add3A_44, %dma_start3A_46] : memref<50176x32xf32, #tpu.memory_space<vmem_shared>> -> memref<98x32xf32, #tpu.memory_space<vmem_shared>>
        tpu.enqueue_dma source(%arg16 : memref<98x32xf32, #tpu.memory_space<vmem>>) target(%dma_start3A_47 : memref<98x32xf32, #tpu.memory_space<vmem_shared>>) target_semaphore(%run_scoped3A : memref<!tpu.dma_semaphore, #tpu.memory_space<semaphore_mem>>)
        %dma_wait3A = arith.constant 0 : i32
        %dma_wait3A_48 = tpu.memref_slice %arg18[%add3A_44, %dma_wait3A] : memref<50176x32xf32, #tpu.memory_space<vmem_shared>> -> memref<98x32xf32, #tpu.memory_space<vmem_shared>>
        %dma_wait3A_49 = arith.constant 0 : i32
        %dma_wait3A_50 = tpu.memref_slice %arg18[%add3A_44, %dma_wait3A_49] : memref<50176x32xf32, #tpu.memory_space<vmem_shared>> -> memref<98x32xf32, #tpu.memory_space<vmem_shared>>
        tpu.wait_dma2 semaphore(%run_scoped3A : memref<!tpu.dma_semaphore, #tpu.memory_space<semaphore_mem>>) src(%arg16 : memref<98x32xf32, #tpu.memory_space<vmem>>) dst(%dma_wait3A_50 : memref<98x32xf32, #tpu.memory_space<vmem_shared>>)
        tpu.yield
      }) : () -> ()
    }
    %scan3A_11 = arith.constant 32 : i32
    %mul3A = arith.constant 32 : i32
    %mul3A_12 = arith.muli %arg0, %mul3A : i32
    "tpu.region"() ({
      %run_scoped3A = tpu.sem_alloc : memref<!tpu.dma_semaphore, #tpu.memory_space<semaphore_mem>>
      %dma_start3A = tpu.memref_slice %arg6[%mul3A_12] : memref<64xf32, #tpu.memory_space<hbm>> -> memref<32xf32, #tpu.memory_space<hbm>>
      %dma_start3A_39 = tpu.memref_slice %arg6[%mul3A_12] : memref<64xf32, #tpu.memory_space<hbm>> -> memref<32xf32, #tpu.memory_space<hbm>>
      tpu.enqueue_dma source(%dma_start3A_39 : memref<32xf32, #tpu.memory_space<hbm>>) target(%arg17 : memref<32xf32, #tpu.memory_space<vmem>>) target_semaphore(%run_scoped3A : memref<!tpu.dma_semaphore, #tpu.memory_space<semaphore_mem>>)
      %dma_wait3A = tpu.memref_slice %arg6[%mul3A_12] : memref<64xf32, #tpu.memory_space<hbm>> -> memref<32xf32, #tpu.memory_space<hbm>>
      %dma_wait3A_40 = tpu.memref_slice %arg6[%mul3A_12] : memref<64xf32, #tpu.memory_space<hbm>> -> memref<32xf32, #tpu.memory_space<hbm>>
      tpu.wait_dma2 semaphore(%run_scoped3A : memref<!tpu.dma_semaphore, #tpu.memory_space<semaphore_mem>>) src(%dma_wait3A_40 : memref<32xf32, #tpu.memory_space<hbm>>) dst(%arg17 : memref<32xf32, #tpu.memory_space<vmem>>)
      tpu.yield
    }) : () -> ()
    %barrier3A = arith.constant 0 : index
    tpu.barrier barrier_id(%barrier3A)
    %get3A = arith.constant 0 : index
    %get3A_13 = tpu.vector_load %arg17[%get3A] {strides = array<i32>} : memref<32xf32, #tpu.memory_space<vmem>>, vector<16xf32>,
    %get3A_14 = vector.shape_cast %get3A_13 : vector<16xf32> to vector<16xf32>
    %get3A_15 = arith.constant 16 : index
    %get3A_16 = tpu.vector_load %arg17[%get3A_15] {strides = array<i32>} : memref<32xf32, #tpu.memory_space<vmem>>, vector<16xf32>,
    %get3A_17 = vector.shape_cast %get3A_16 : vector<16xf32> to vector<16xf32>
    %mul3A_18 = arith.constant 50176 : i32
    %mul3A_19 = arith.muli %arg0, %mul3A_18 : i32
    %add3A = arith.constant 2 : i32
    %add3A_20 = arith.addi %add3A, %arg0 : i32
    %mul3A_21 = arith.constant 50176 : i32
    %mul3A_22 = arith.muli %add3A_20, %mul3A_21 : i32
    %add3A_23 = arith.constant 0 : i32
    %add3A_24 = arith.addi %add3A_23, %arg0 : i32
    %scan3A_25 = arith.constant 0 : i32
    %scan3A_26 = arith.constant 0 : i32
    %scan3A_27 = arith.constant 391 : i32
    %scan3A_28 = arith.addi %scan3A_26, %scan3A_27 : i32
    %scan3A_29 = arith.constant 1 : i32
    scf.for %scan3A_39 = %scan3A_26 to %scan3A_28 step %scan3A_29  : i32 {
      %lt3A = arith.constant 390 : i32
      %lt3A_40 = arith.cmpi slt, %scan3A_39, %lt3A : i32
      %lt3A_41 = arith.constant 10 : i32
      %lt3A_42 = arith.cmpi slt, %arg1, %lt3A_41 : i32
      %or3A = arith.ori %lt3A_40, %lt3A_42 : i1
      %convert_element_type3A = arith.extui %or3A : i1 to i32
      %cond3A = arith.constant 0 : i32
      %cond3A_43 = arith.cmpi ne, %convert_element_type3A, %cond3A : i32
      scf.if %cond3A_43 {
        %mul3A_44 = arith.constant 16 : i32
        %mul3A_45 = arith.muli %scan3A_39, %mul3A_44 : i32
        %add3A_46 = arith.addi %mul3A_45, %arg1 : i32
        %mul3A_47 = arith.constant 128 : i32
        %mul3A_48 = arith.muli %add3A_46, %mul3A_47 : i32
        "tpu.region"() ({
          %run_scoped3A = tpu.sem_alloc : memref<!tpu.dma_semaphore, #tpu.memory_space<semaphore_mem>>
          %dma_start3A_71 = tpu.memref_slice %arg2[%mul3A_48] : memref<800000xi32, #tpu.memory_space<hbm>> -> memref<128xi32, #tpu.memory_space<hbm>>
          %dma_start3A_72 = tpu.memref_slice %arg2[%mul3A_48] : memref<800000xi32, #tpu.memory_space<hbm>> -> memref<128xi32, #tpu.memory_space<hbm>>
          tpu.enqueue_dma source(%dma_start3A_72 : memref<128xi32, #tpu.memory_space<hbm>>) target(%arg8 : memref<128xi32, #tpu.memory_space<vmem>>) target_semaphore(%run_scoped3A : memref<!tpu.dma_semaphore, #tpu.memory_space<semaphore_mem>>)
          %dma_wait3A_73 = tpu.memref_slice %arg2[%mul3A_48] : memref<800000xi32, #tpu.memory_space<hbm>> -> memref<128xi32, #tpu.memory_space<hbm>>
          %dma_wait3A_74 = tpu.memref_slice %arg2[%mul3A_48] : memref<800000xi32, #tpu.memory_space<hbm>> -> memref<128xi32, #tpu.memory_space<hbm>>
          tpu.wait_dma2 semaphore(%run_scoped3A : memref<!tpu.dma_semaphore, #tpu.memory_space<semaphore_mem>>) src(%dma_wait3A_74 : memref<128xi32, #tpu.memory_space<hbm>>) dst(%arg8 : memref<128xi32, #tpu.memory_space<vmem>>)
          tpu.yield
        }) : () -> ()
        "tpu.region"() ({
          %run_scoped3A = tpu.sem_alloc : memref<!tpu.dma_semaphore, #tpu.memory_space<semaphore_mem>>
          %dma_start3A_71 = tpu.memref_slice %arg3[%mul3A_48] : memref<800000xi32, #tpu.memory_space<hbm>> -> memref<128xi32, #tpu.memory_space<hbm>>
          %dma_start3A_72 = tpu.memref_slice %arg3[%mul3A_48] : memref<800000xi32, #tpu.memory_space<hbm>> -> memref<128xi32, #tpu.memory_space<hbm>>
          tpu.enqueue_dma source(%dma_start3A_72 : memref<128xi32, #tpu.memory_space<hbm>>) target(%arg9 : memref<128xi32, #tpu.memory_space<vmem>>) target_semaphore(%run_scoped3A : memref<!tpu.dma_semaphore, #tpu.memory_space<semaphore_mem>>)
          %dma_wait3A_73 = tpu.memref_slice %arg3[%mul3A_48] : memref<800000xi32, #tpu.memory_space<hbm>> -> memref<128xi32, #tpu.memory_space<hbm>>
          %dma_wait3A_74 = tpu.memref_slice %arg3[%mul3A_48] : memref<800000xi32, #tpu.memory_space<hbm>> -> memref<128xi32, #tpu.memory_space<hbm>>
          tpu.wait_dma2 semaphore(%run_scoped3A : memref<!tpu.dma_semaphore, #tpu.memory_space<semaphore_mem>>) src(%dma_wait3A_74 : memref<128xi32, #tpu.memory_space<hbm>>) dst(%arg9 : memref<128xi32, #tpu.memory_space<vmem>>)
          tpu.yield
        }) : () -> ()
        %scan3A_49 = arith.constant 0 : i32
        %scan3A_50 = arith.constant 0 : i32
        %scan3A_51 = arith.constant 8 : i32
        %scan3A_52 = arith.addi %scan3A_50, %scan3A_51 : i32
        %scan3A_53 = arith.constant 1 : i32
        scf.for %scan3A_71 = %scan3A_50 to %scan3A_52 step %scan3A_53  : i32 {
          %mul3A_72 = arith.constant 16 : i32
          %mul3A_73 = arith.muli %scan3A_71, %mul3A_72 : i32
          %get3A_74 = arith.index_cast %mul3A_73 : i32 to index
          %get3A_75 = tpu.vector_load %arg8[%get3A_74] {strides = array<i32>} : memref<128xi32, #tpu.memory_space<vmem>>, vector<16xi32>,
          %get3A_76 = vector.shape_cast %get3A_75 : vector<16xi32> to vector<16xi32>
          %add3A_77 = vector.broadcast %mul3A_19 : i32 to vector<16xi32>
          %add3A_78 = arith.addi %get3A_76, %add3A_77 : vector<16xi32>
          %swap3A = arith.index_cast %mul3A_73 : i32 to index
          %swap3A_79 = tpu.vector_load %arg10[%swap3A] {strides = array<i32>} : memref<128xi32, #tpu.memory_space<vmem>>, vector<16xi32>,
          %swap3A_80 = vector.shape_cast %swap3A_79 : vector<16xi32> to vector<16xi32>
          %swap3A_81 = vector.shape_cast %add3A_78 : vector<16xi32> to vector<16xi32>
          tpu.vector_store %arg10[%swap3A], %swap3A_81 {strides = array<i32>} : memref<128xi32, #tpu.memory_space<vmem>>, vector<16xi32>,
          %get3A_82 = arith.index_cast %mul3A_73 : i32 to index
          %get3A_83 = tpu.vector_load %arg9[%get3A_82] {strides = array<i32>} : memref<128xi32, #tpu.memory_space<vmem>>, vector<16xi32>,
          %get3A_84 = vector.shape_cast %get3A_83 : vector<16xi32> to vector<16xi32>
          %add3A_85 = vector.broadcast %mul3A_22 : i32 to vector<16xi32>
          %add3A_86 = arith.addi %get3A_84, %add3A_85 : vector<16xi32>
          %swap3A_87 = arith.index_cast %mul3A_73 : i32 to index
          %swap3A_88 = tpu.vector_load %arg11[%swap3A_87] {strides = array<i32>} : memref<128xi32, #tpu.memory_space<vmem>>, vector<16xi32>,
          %swap3A_89 = vector.shape_cast %swap3A_88 : vector<16xi32> to vector<16xi32>
          %swap3A_90 = vector.shape_cast %add3A_86 : vector<16xi32> to vector<16xi32>
          tpu.vector_store %arg11[%swap3A_87], %swap3A_90 {strides = array<i32>} : memref<128xi32, #tpu.memory_space<vmem>>, vector<16xi32>,
        }
        %scan3A_54 = arith.constant 8 : i32
        %dma_start3A = arith.constant 0 : i32
        %dma_start3A_55 = arith.constant 0 : i32
        %dma_start3A_56 = tpu.memref_slice %arg4[%dma_start3A, %dma_start3A_55] : memref<200704x32xf32, #tpu.memory_space<hbm>> -> memref<200704x32xf32, #tpu.memory_space<hbm>>
        tpu.enqueue_indirect_dma source(%dma_start3A_56 : memref<200704x32xf32, #tpu.memory_space<hbm>>) target(%arg12 : memref<128x32xf32, #tpu.memory_space<vmem>>) offsets(%arg10 : memref<128xi32, #tpu.memory_space<vmem>>) semaphore(%arg19 : memref<!tpu.dma_semaphore, #tpu.memory_space<semaphore_mem>>)
        %dma_start3A_57 = arith.constant 0 : i32
        %dma_start3A_58 = arith.constant 0 : i32
        %dma_start3A_59 = tpu.memref_slice %arg4[%dma_start3A_57, %dma_start3A_58] : memref<200704x32xf32, #tpu.memory_space<hbm>> -> memref<200704x32xf32, #tpu.memory_space<hbm>>
        tpu.enqueue_indirect_dma source(%dma_start3A_59 : memref<200704x32xf32, #tpu.memory_space<hbm>>) target(%arg13 : memref<128x32xf32, #tpu.memory_space<vmem>>) offsets(%arg11 : memref<128xi32, #tpu.memory_space<vmem>>) semaphore(%arg20 : memref<!tpu.dma_semaphore, #tpu.memory_space<semaphore_mem>>)
        "tpu.region"() ({
          %run_scoped3A = tpu.sem_alloc : memref<!tpu.dma_semaphore, #tpu.memory_space<semaphore_mem>>
          %dma_start3A_71 = arith.constant 0 : i32
          %dma_start3A_72 = tpu.memref_slice %arg5[%add3A_24, %mul3A_48, %dma_start3A_71] : memref<6x800000x32xf32, #tpu.memory_space<hbm>> -> memref<1x128x32xf32, #tpu.memory_space<hbm>>
          %dma_start3A_73 = tpu.memref_squeeze %dma_start3A_72 : memref<1x128x32xf32, #tpu.memory_space<hbm>> -> memref<128x32xf32, #tpu.memory_space<hbm>>
          %dma_start3A_74 = arith.constant 0 : i32
          %dma_start3A_75 = tpu.memref_slice %arg5[%add3A_24, %mul3A_48, %dma_start3A_74] : memref<6x800000x32xf32, #tpu.memory_space<hbm>> -> memref<1x128x32xf32, #tpu.memory_space<hbm>>
          %dma_start3A_76 = tpu.memref_squeeze %dma_start3A_75 : memref<1x128x32xf32, #tpu.memory_space<hbm>> -> memref<128x32xf32, #tpu.memory_space<hbm>>
          tpu.enqueue_dma source(%dma_start3A_76 : memref<128x32xf32, #tpu.memory_space<hbm>>) target(%arg14 : memref<128x32xf32, #tpu.memory_space<vmem>>) target_semaphore(%run_scoped3A : memref<!tpu.dma_semaphore, #tpu.memory_space<semaphore_mem>>)
          %dma_wait3A_77 = arith.constant 0 : i32
          %dma_wait3A_78 = tpu.memref_slice %arg5[%add3A_24, %mul3A_48, %dma_wait3A_77] : memref<6x800000x32xf32, #tpu.memory_space<hbm>> -> memref<1x128x32xf32, #tpu.memory_space<hbm>>
          %dma_wait3A_79 = tpu.memref_squeeze %dma_wait3A_78 : memref<1x128x32xf32, #tpu.memory_space<hbm>> -> memref<128x32xf32, #tpu.memory_space<hbm>>
          %dma_wait3A_80 = arith.constant 0 : i32
          %dma_wait3A_81 = tpu.memref_slice %arg5[%add3A_24, %mul3A_48, %dma_wait3A_80] : memref<6x800000x32xf32, #tpu.memory_space<hbm>> -> memref<1x128x32xf32, #tpu.memory_space<hbm>>
          %dma_wait3A_82 = tpu.memref_squeeze %dma_wait3A_81 : memref<1x128x32xf32, #tpu.memory_space<hbm>> -> memref<128x32xf32, #tpu.memory_space<hbm>>
          tpu.wait_dma2 semaphore(%run_scoped3A : memref<!tpu.dma_semaphore, #tpu.memory_space<semaphore_mem>>) src(%dma_wait3A_82 : memref<128x32xf32, #tpu.memory_space<hbm>>) dst(%arg14 : memref<128x32xf32, #tpu.memory_space<vmem>>)
          tpu.yield
        }) : () -> ()
        %dma_wait3A = arith.constant 0 : i32
        %dma_wait3A_60 = arith.constant 0 : i32
        %dma_wait3A_61 = tpu.memref_slice %arg4[%dma_wait3A, %dma_wait3A_60] : memref<200704x32xf32, #tpu.memory_space<hbm>> -> memref<200704x32xf32, #tpu.memory_space<hbm>>
        tpu.wait_indirect_dma semaphore(%arg19 : memref<!tpu.dma_semaphore, #tpu.memory_space<semaphore_mem>>) src(%dma_wait3A_61 : memref<200704x32xf32, #tpu.memory_space<hbm>>) dst(%arg12 : memref<128x32xf32, #tpu.memory_space<vmem>>)
        %dma_wait3A_62 = arith.constant 0 : i32
        %dma_wait3A_63 = arith.constant 0 : i32
        %dma_wait3A_64 = tpu.memref_slice %arg4[%dma_wait3A_62, %dma_wait3A_63] : memref<200704x32xf32, #tpu.memory_space<hbm>> -> memref<200704x32xf32, #tpu.memory_space<hbm>>
        tpu.wait_indirect_dma semaphore(%arg20 : memref<!tpu.dma_semaphore, #tpu.memory_space<semaphore_mem>>) src(%dma_wait3A_64 : memref<200704x32xf32, #tpu.memory_space<hbm>>) dst(%arg13 : memref<128x32xf32, #tpu.memory_space<vmem>>)
        %scan3A_65 = arith.constant 0 : i32
        %scan3A_66 = arith.constant 0 : i32
        %scan3A_67 = arith.constant 128 : i32
        %scan3A_68 = arith.addi %scan3A_66, %scan3A_67 : i32
        %scan3A_69 = arith.constant 1 : i32
        scf.for %scan3A_71 = %scan3A_66 to %scan3A_68 step %scan3A_69  : i32 {
          %get3A_72 = arith.index_cast %scan3A_71 : i32 to index
          %get3A_73 = arith.constant 0 : index
          %get3A_74 = tpu.vector_load %arg12[%get3A_72, %get3A_73] {strides = array<i32>} : memref<128x32xf32, #tpu.memory_space<vmem>>, vector<1x16xf32>,
          %get3A_75 = vector.shape_cast %get3A_74 : vector<1x16xf32> to vector<16xf32>
          %get3A_76 = arith.index_cast %scan3A_71 : i32 to index
          %get3A_77 = arith.constant 0 : index
          %get3A_78 = tpu.vector_load %arg13[%get3A_76, %get3A_77] {strides = array<i32>} : memref<128x32xf32, #tpu.memory_space<vmem>>, vector<1x16xf32>,
          %get3A_79 = vector.shape_cast %get3A_78 : vector<1x16xf32> to vector<16xf32>
          %add3A_80 = arith.addf %get3A_75, %get3A_79 : vector<16xf32>
          %get3A_81 = arith.index_cast %scan3A_71 : i32 to index
          %get3A_82 = arith.constant 0 : index
          %get3A_83 = tpu.vector_load %arg14[%get3A_81, %get3A_82] {strides = array<i32>} : memref<128x32xf32, #tpu.memory_space<vmem>>, vector<1x16xf32>,
          %get3A_84 = vector.shape_cast %get3A_83 : vector<1x16xf32> to vector<16xf32>
          %add3A_85 = arith.addf %add3A_80, %get3A_84 : vector<16xf32>
          %abs3A = math.absf %add3A_85 : vector<16xf32>
          %neg3A = arith.constant 0.000000e+00 : f32
          %neg3A_86 = vector.broadcast %neg3A : f32 to vector<16xf32>
          %neg3A_87 = arith.subf %neg3A_86, %abs3A : vector<16xf32>
          %exp3A = math.exp %neg3A_87 : vector<16xf32>
          %mul3A_88 = arith.constant 0.0304490048 : f32
          %mul3A_89 = vector.broadcast %mul3A_88 : f32 to vector<16xf32>
          %mul3A_90 = arith.mulf %mul3A_89, %exp3A : vector<16xf32>
          %add3A_91 = arith.constant -0.131581828 : f32
          %add3A_92 = vector.broadcast %add3A_91 : f32 to vector<16xf32>
          %add3A_93 = arith.addf %mul3A_90, %add3A_92 : vector<16xf32>
          %mul3A_94 = arith.mulf %add3A_93, %exp3A : vector<16xf32>
          %add3A_95 = arith.constant 0.285272688 : f32
          %add3A_96 = vector.broadcast %add3A_95 : f32 to vector<16xf32>
          %add3A_97 = arith.addf %mul3A_94, %add3A_96 : vector<16xf32>
          %mul3A_98 = arith.mulf %add3A_97, %exp3A : vector<16xf32>
          %add3A_99 = arith.constant -0.490230709 : f32
          %add3A_100 = vector.broadcast %add3A_99 : f32 to vector<16xf32>
          %add3A_101 = arith.addf %mul3A_98, %add3A_100 : vector<16xf32>
          %mul3A_102 = arith.mulf %add3A_101, %exp3A : vector<16xf32>
          %add3A_103 = arith.constant 0.99923551 : f32
          %add3A_104 = vector.broadcast %add3A_103 : f32 to vector<16xf32>
          %add3A_105 = arith.addf %mul3A_102, %add3A_104 : vector<16xf32>
          %mul3A_106 = arith.mulf %add3A_105, %exp3A : vector<16xf32>
          %add3A_107 = arith.constant 9.9750323E-6 : f32
          %add3A_108 = vector.broadcast %add3A_107 : f32 to vector<16xf32>
          %add3A_109 = arith.addf %mul3A_106, %add3A_108 : vector<16xf32>
          %max3A = arith.constant 0.000000e+00 : f32
          %max3A_110 = vector.broadcast %max3A : f32 to vector<16xf32>
          %max3A_111 = arith.maximumf %add3A_85, %max3A_110 : vector<16xf32>
          %add3A_112 = arith.addf %max3A_111, %add3A_109 : vector<16xf32>
          %add3A_113 = arith.addf %add3A_112, %get3A_14 : vector<16xf32>
          %swap3A = arith.index_cast %scan3A_71 : i32 to index
          %swap3A_114 = arith.constant 0 : index
          %swap3A_115 = tpu.vector_load %arg15[%swap3A, %swap3A_114] {strides = array<i32>} : memref<128x32xf32, #tpu.memory_space<vmem>>, vector<1x16xf32>,
          %swap3A_116 = vector.shape_cast %swap3A_115 : vector<1x16xf32> to vector<16xf32>
          %swap3A_117 = vector.shape_cast %add3A_113 : vector<16xf32> to vector<1x16xf32>
          tpu.vector_store %arg15[%swap3A, %swap3A_114], %swap3A_117 {strides = array<i32>} : memref<128x32xf32, #tpu.memory_space<vmem>>, vector<1x16xf32>,
          %get3A_118 = arith.index_cast %scan3A_71 : i32 to index
          %get3A_119 = arith.constant 16 : index
          %get3A_120 = tpu.vector_load %arg12[%get3A_118, %get3A_119] {strides = array<i32>} : memref<128x32xf32, #tpu.memory_space<vmem>>, vector<1x16xf32>,
          %get3A_121 = vector.shape_cast %get3A_120 : vector<1x16xf32> to vector<16xf32>
          %get3A_122 = arith.index_cast %scan3A_71 : i32 to index
          %get3A_123 = arith.constant 16 : index
          %get3A_124 = tpu.vector_load %arg13[%get3A_122, %get3A_123] {strides = array<i32>} : memref<128x32xf32, #tpu.memory_space<vmem>>, vector<1x16xf32>,
          %get3A_125 = vector.shape_cast %get3A_124 : vector<1x16xf32> to vector<16xf32>
          %add3A_126 = arith.addf %get3A_121, %get3A_125 : vector<16xf32>
          %get3A_127 = arith.index_cast %scan3A_71 : i32 to index
          %get3A_128 = arith.constant 16 : index
          %get3A_129 = tpu.vector_load %arg14[%get3A_127, %get3A_128] {strides = array<i32>} : memref<128x32xf32, #tpu.memory_space<vmem>>, vector<1x16xf32>,
          %get3A_130 = vector.shape_cast %get3A_129 : vector<1x16xf32> to vector<16xf32>
          %add3A_131 = arith.addf %add3A_126, %get3A_130 : vector<16xf32>
          %abs3A_132 = math.absf %add3A_131 : vector<16xf32>
          %neg3A_133 = arith.constant 0.000000e+00 : f32
          %neg3A_134 = vector.broadcast %neg3A_133 : f32 to vector<16xf32>
          %neg3A_135 = arith.subf %neg3A_134, %abs3A_132 : vector<16xf32>
          %exp3A_136 = math.exp %neg3A_135 : vector<16xf32>
          %mul3A_137 = arith.constant 0.0304490048 : f32
          %mul3A_138 = vector.broadcast %mul3A_137 : f32 to vector<16xf32>
          %mul3A_139 = arith.mulf %mul3A_138, %exp3A_136 : vector<16xf32>
          %add3A_140 = arith.constant -0.131581828 : f32
          %add3A_141 = vector.broadcast %add3A_140 : f32 to vector<16xf32>
          %add3A_142 = arith.addf %mul3A_139, %add3A_141 : vector<16xf32>
          %mul3A_143 = arith.mulf %add3A_142, %exp3A_136 : vector<16xf32>
          %add3A_144 = arith.constant 0.285272688 : f32
          %add3A_145 = vector.broadcast %add3A_144 : f32 to vector<16xf32>
          %add3A_146 = arith.addf %mul3A_143, %add3A_145 : vector<16xf32>
          %mul3A_147 = arith.mulf %add3A_146, %exp3A_136 : vector<16xf32>
          %add3A_148 = arith.constant -0.490230709 : f32
          %add3A_149 = vector.broadcast %add3A_148 : f32 to vector<16xf32>
          %add3A_150 = arith.addf %mul3A_147, %add3A_149 : vector<16xf32>
          %mul3A_151 = arith.mulf %add3A_150, %exp3A_136 : vector<16xf32>
          %add3A_152 = arith.constant 0.99923551 : f32
          %add3A_153 = vector.broadcast %add3A_152 : f32 to vector<16xf32>
          %add3A_154 = arith.addf %mul3A_151, %add3A_153 : vector<16xf32>
          %mul3A_155 = arith.mulf %add3A_154, %exp3A_136 : vector<16xf32>
          %add3A_156 = arith.constant 9.9750323E-6 : f32
          %add3A_157 = vector.broadcast %add3A_156 : f32 to vector<16xf32>
          %add3A_158 = arith.addf %mul3A_155, %add3A_157 : vector<16xf32>
          %max3A_159 = arith.constant 0.000000e+00 : f32
          %max3A_160 = vector.broadcast %max3A_159 : f32 to vector<16xf32>
          %max3A_161 = arith.maximumf %add3A_131, %max3A_160 : vector<16xf32>
          %add3A_162 = arith.addf %max3A_161, %add3A_158 : vector<16xf32>
          %add3A_163 = arith.addf %add3A_162, %get3A_17 : vector<16xf32>
          %swap3A_164 = arith.index_cast %scan3A_71 : i32 to index
          %swap3A_165 = arith.constant 16 : index
          %swap3A_166 = tpu.vector_load %arg15[%swap3A_164, %swap3A_165] {strides = array<i32>} : memref<128x32xf32, #tpu.memory_space<vmem>>, vector<1x16xf32>,
          %swap3A_167 = vector.shape_cast %swap3A_166 : vector<1x16xf32> to vector<16xf32>
          %swap3A_168 = vector.shape_cast %add3A_163 : vector<16xf32> to vector<1x16xf32>
          tpu.vector_store %arg15[%swap3A_164, %swap3A_165], %swap3A_168 {strides = array<i32>} : memref<128x32xf32, #tpu.memory_space<vmem>>, vector<1x16xf32>,
        }
        %scan3A_70 = arith.constant 128 : i32
        "tpu.region"() ({
          %run_scoped3A = tpu.sem_alloc : memref<!tpu.dma_semaphore, #tpu.memory_space<semaphore_mem>>
          %dma_start3A_71 = arith.constant 0 : i32
          %dma_start3A_72 = arith.constant 0 : i32
          %dma_start3A_73 = tpu.memref_slice %arg18[%dma_start3A_71, %dma_start3A_72] : memref<50176x32xf32, #tpu.memory_space<vmem_shared>> -> memref<50176x32xf32, #tpu.memory_space<vmem_shared>>
          tpu.enqueue_indirect_dma source(%arg15 : memref<128x32xf32, #tpu.memory_space<vmem>>) target(%dma_start3A_73 : memref<50176x32xf32, #tpu.memory_space<vmem_shared>>) offsets(%arg8 : memref<128xi32, #tpu.memory_space<vmem>>) semaphore(%run_scoped3A : memref<!tpu.dma_semaphore, #tpu.memory_space<semaphore_mem>>) {add = true}
          %dma_wait3A_74 = arith.constant 0 : i32
          %dma_wait3A_75 = arith.constant 0 : i32
          %dma_wait3A_76 = tpu.memref_slice %arg18[%dma_wait3A_74, %dma_wait3A_75] : memref<50176x32xf32, #tpu.memory_space<vmem_shared>> -> memref<50176x32xf32, #tpu.memory_space<vmem_shared>>
          tpu.wait_indirect_dma semaphore(%run_scoped3A : memref<!tpu.dma_semaphore, #tpu.memory_space<semaphore_mem>>) src(%arg15 : memref<128x32xf32, #tpu.memory_space<vmem>>) dst(%dma_wait3A_76 : memref<50176x32xf32, #tpu.memory_space<vmem_shared>>)
          tpu.yield
        }) : () -> ()
      } else {
      }
    }
    %scan3A_30 = arith.constant 391 : i32
    %barrier3A_31 = arith.constant 0 : index
    tpu.barrier barrier_id(%barrier3A_31)
    %mul3A_32 = arith.constant 3136 : i32
    %mul3A_33 = arith.muli %arg1, %mul3A_32 : i32
    %mul3A_34 = arith.constant 50176 : i32
    %mul3A_35 = arith.muli %arg0, %mul3A_34 : i32
    %mul3A_36 = arith.constant 3136 : i32
    %mul3A_37 = arith.muli %arg1, %mul3A_36 : i32
    %add3A_38 = arith.addi %mul3A_35, %mul3A_37 : i32
    "tpu.region"() ({
      %run_scoped3A = tpu.sem_alloc : memref<!tpu.dma_semaphore, #tpu.memory_space<semaphore_mem>>
      %dma_start3A = arith.constant 0 : i32
      %dma_start3A_39 = tpu.memref_slice %arg7[%add3A_38, %dma_start3A] : memref<100352x32xf32, #tpu.memory_space<hbm>> -> memref<3136x32xf32, #tpu.memory_space<hbm>>
      %dma_start3A_40 = arith.constant 0 : i32
      %dma_start3A_41 = tpu.memref_slice %arg18[%mul3A_33, %dma_start3A_40] : memref<50176x32xf32, #tpu.memory_space<vmem_shared>> -> memref<3136x32xf32, #tpu.memory_space<vmem_shared>>
      tpu.enqueue_dma source(%dma_start3A_41 : memref<3136x32xf32, #tpu.memory_space<vmem_shared>>) target(%dma_start3A_39 : memref<3136x32xf32, #tpu.memory_space<hbm>>) target_semaphore(%run_scoped3A : memref<!tpu.dma_semaphore, #tpu.memory_space<semaphore_mem>>)
      %dma_wait3A = arith.constant 0 : i32
      %dma_wait3A_42 = tpu.memref_slice %arg7[%add3A_38, %dma_wait3A] : memref<100352x32xf32, #tpu.memory_space<hbm>> -> memref<3136x32xf32, #tpu.memory_space<hbm>>
      %dma_wait3A_43 = arith.constant 0 : i32
      %dma_wait3A_44 = tpu.memref_slice %arg18[%mul3A_33, %dma_wait3A_43] : memref<50176x32xf32, #tpu.memory_space<vmem_shared>> -> memref<3136x32xf32, #tpu.memory_space<vmem_shared>>
      tpu.wait_dma2 semaphore(%run_scoped3A : memref<!tpu.dma_semaphore, #tpu.memory_space<semaphore_mem>>) src(%dma_wait3A_44 : memref<3136x32xf32, #tpu.memory_space<vmem_shared>>) dst(%dma_wait3A_42 : memref<3136x32xf32, #tpu.memory_space<hbm>>)
      tpu.yield
    }) : () -> ()
    return
  }
}

</mosaic_0001>

<sc_bundles>
// kernel: _sc_edge.3.cloned.1.call-start
scs
__scs_entry_jumppad:
0x0: {  	(pc) =	sbr.rel $0x88, $3  }
0x1: {  	(tag) =	ssettag $0x0;
	lr =	simm.s32 $0x1  }
0x2: {  	[smem:$0x3F9C] =	sst lr;
	_ =	strace $0xD0000000  }
0x3: {  	_ = 	snop  }
0x4: {  	_ = 	snop  }
0x5: {  	_ = 	snop  }
0x6: {  	_ = 	snop  }
0x7: {  	_ = 	snop  }
__scs_overlays_trampoline_lowered:
0x8: {  	[smem:$0x3FAB] =	sst s0  }
0x9: {  	[smem:$0x3FAC] =	sst s1  }
0xa: {  	[smem:$0x3FAD] =	sst s2  }
0xb: {  	[smem:$0x3FAE] =	sst s3  }
0xc: {  	[smem:$0x3FAF] =	sst s4  }
0xd: {  	[smem:$0x3FB0] =	sst s5  }
0xe: {  	[smem:$0x3FB1] =	sst s6  }
0xf: {  	[smem:$0x3FB2] =	sst s7  }
0x10: {  	[smem:$0x3FB3] =	sst s8  }
0x11: {  	[smem:$0x3FB4] =	sst s9;
	s0 =	simm.s32 @!p0 $0x0  }
0x12: {  	s1 =	sld [smem:$0x3F9A];
	s0 =	simm.s32 @p0 $0x1  }
0x13: {  	[smem:$0x3FB5] =	sst s0;
	s0 =	simm.s32 @!p1 $0x0  }
0x14: {  	s2 =	sld [smem:$0x3F99];
	s0 =	simm.s32 @p1 $0x1  }
0x15: {  	[smem:$0x3FB6] =	sst s0;
	s0 =	simm.s32 @!p2 $0x0  }
0x16: {  	s3 =	sld [smem:$0x3FDB];
	s0 =	simm.s32 @p2 $0x1  }
0x17: {  	s4 =	simm.s32 $0x1BF5;
	[smem:$0x3FB8] =	sst s0  }
0x18: {  	s0 =	sld [smem:$0x3F9B];
	_ =	swait.ge [sflag:s4], $0x0  }
0x19: {  	s7 =	sld [smem:$0x3F9C]  }
0x1a: {  	s8 =	sadd.s32 $0xFFFFE003, lr  }
0x1b: {  	s9 =	sadd.s32 $0xFFFFFEF7, lr;
	s5 =	simm.s32 $0xFFFFFFFF;
	p2 =	slt.u32 s8, $0xFFFFF086  }
0x1c: {  	p1 =	slt.u32 s9, $0xF7A;
	s5 =	simm.s32 @!p2 $0x0  }
0x1d: {  	s5 =	simm.s32 @p1 $0x1;
	p0 =	seq.s32 s7, s2  }
0x1e: {  	s7 =	smul.u32 @!p0 $0xF7A, s2;
	p2 =	seq.s32 @!p0 s5, $0x0  }
0x1f: {  	s9 =	smul.u32 $0xF7A, s1;
	s8 =	simm.s32 @!p0 $0x1BF5;
	p2 =	por !p2, p0  }
0x20: {  	[sflag:s8] =	ssyncset.s32 @!p0 $0xFFFFF086;
	s6 =	sadd.s32 @!p0 s3, s7;
	s7 =	simm.s32 @!p0 $0x108  }
0x21: {  	s3 =	sadd.s32 s3, s9;
	s6 =	sadd.s32 @!p0 $0x88, s6;
	s7 =	simm.s32 @p2 $0x1082  }
0x22: {  	[simem:s7], [sflag:s8] =	dma.local @!p0 [hbm:s6], $0xF7A  }
0x23: {  	s9 =	sor.u32 $0xD0000000, s2;
	s6 =	simm.s32 $0x108;
	_ =	swait.ge @!p0 [sflag:s8], $0x0  }
0x24: {  	s3 =	sadd.s32 $0x88, s3;
	s6 =	simm.s32 @!p1 $0x1082;
	[sflag:s4] =	ssyncset.s32 $0xFFFFF086  }
0x25: {  	[simem:s6], [sflag:s4] =	dma.local [hbm:s3], $0xF7A  }
0x26: {  	[smem:$0x3F9C] =	sst s1;
	(tag) =	ssettag s2;
	_ =	strace s9  }
0x27: {  	s1 =	sld [smem:$0x3FAC]  }
0x28: {  	s2 =	sld [smem:$0x3FAD]  }
0x29: {  	s4 =	sld [smem:$0x3FAF]  }
0x2a: {  	p0 =	seq.s32 s5, $0x0;
	s5 =	sld [smem:$0x3FB0]  }
0x2b: {  	s6 =	sld [smem:$0x3FB1]  }
0x2c: {  	s7 =	sld [smem:$0x3FB2]  }
0x2d: {  	s3 =	simm.s32 $0x108;
	s8 =	sld [smem:$0x3FB3]  }
0x2e: {  	s3 =	simm.s32 @!p0 $0x1082;
	s9 =	sld [smem:$0x3FB4]  }
0x2f: {  	lr =	sadd.s32 s0, s3;
	s0 =	sld [smem:$0x3FAB]  }
0x30: {  	s3 =	sld [smem:$0x3FAE]  }
0x31: {  	[smem:$0x3FB7] =	sst s10  }
0x32: {  	s10 =	sld [smem:$0x3FB5];
	_ =	sdelay $0x3  }
0x33: {  	p0 =	seq.s32 s10, $0x1;
	s10 =	sld [smem:$0x3FB7];
	_ =	sdelay $0x3  }
0x34: {  	[smem:$0x3FB7] =	sst s10  }
0x35: {  	s10 =	sld [smem:$0x3FB6];
	_ =	sdelay $0x3  }
0x36: {  	p1 =	seq.s32 s10, $0x1;
	s10 =	sld [smem:$0x3FB7];
	_ =	sdelay $0x3  }
0x37: {  	[smem:$0x3FB7] =	sst s10  }
0x38: {  	s10 =	sld [smem:$0x3FB8]  }
0x39: {  	_ = 	snop;
	(pc) =	sbr.ind lr, $3  }
0x3a: {  	_ = 	snop  }
0x3b: {  	_ = 	snop  }
0x3c: {  	p2 =	seq.s32 s10, $0x1;
	s10 =	sld [smem:$0x3FB7]  }
0x3d: {  	_ =	shalt  }
0x3e: {  	_ =	shalt  }
0x3f: {  	_ =	shalt  }
0x40: {  	_ =	shalt  }
0x41: {  	_ =	shalt  }
0x42: {  	_ =	shalt  }
0x43: {  	_ =	shalt  }
0x44: {  	_ =	shalt  }
0x45: {  	_ =	shalt  }
0x46: {  	_ =	shalt  }
0x47: {  	_ =	shalt  }
0x48: {  	_ =	shalt  }
0x49: {  	_ =	shalt  }
0x4a: {  	_ =	shalt  }
0x4b: {  	_ =	shalt  }
0x4c: {  	_ =	shalt  }
0x4d: {  	_ =	shalt  }
0x4e: {  	_ =	shalt  }
0x4f: {  	_ =	shalt  }
0x50: {  	_ =	shalt  }
0x51: {  	_ =	shalt  }
0x52: {  	_ =	shalt  }
0x53: {  	_ =	shalt  }
0x54: {  	_ =	shalt  }
0x55: {  	_ =	shalt  }
0x56: {  	_ =	shalt  }
0x57: {  	_ =	shalt  }
0x58: {  	_ =	shalt  }
0x59: {  	_ =	shalt  }
0x5a: {  	_ =	shalt  }
0x5b: {  	_ =	shalt  }
0x5c: {  	_ =	shalt  }
0x5d: {  	_ =	shalt  }
0x5e: {  	_ =	shalt  }
0x5f: {  	_ =	shalt  }
0x60: {  	_ =	shalt  }
0x61: {  	_ =	shalt  }
0x62: {  	_ =	shalt  }
0x63: {  	_ =	shalt  }
0x64: {  	_ =	shalt  }
0x65: {  	_ =	shalt  }
0x66: {  	_ =	shalt  }
0x67: {  	_ =	shalt  }
0x68: {  	_ =	shalt  }
0x69: {  	_ =	shalt  }
0x6a: {  	_ =	shalt  }
0x6b: {  	_ =	shalt  }
0x6c: {  	_ =	shalt  }
0x6d: {  	_ =	shalt  }
0x6e: {  	_ =	shalt  }
0x6f: {  	_ =	shalt  }
0x70: {  	_ =	shalt  }
0x71: {  	_ =	shalt  }
0x72: {  	_ =	shalt  }
0x73: {  	_ =	shalt  }
0x74: {  	_ =	shalt  }
0x75: {  	_ =	shalt  }
0x76: {  	_ =	shalt  }
0x77: {  	_ =	shalt  }
0x78: {  	_ =	shalt  }
0x79: {  	_ =	shalt  }
0x7a: {  	_ =	shalt  }
0x7b: {  	_ =	shalt  }
0x7c: {  	_ =	shalt  }
0x7d: {  	_ =	shalt  }
0x7e: {  	_ =	shalt  }
0x7f: {  	_ =	shalt  }
0x80: {  	_ =	shalt  }
0x81: {  	_ =	shalt  }
0x82: {  	_ =	shalt  }
0x83: {  	_ =	shalt  }
0x84: {  	_ =	shalt  }
0x85: {  	_ =	shalt  }
0x86: {  	_ =	shalt  }
0x87: {  	_ =	shalt  }
.Lfunc_end0:
.L_simem_size_0:
called_computation_lowered:
.L_overlay_start_0:
0x88: {  	s2 =	sld [smem:$0x3FD9]  }
0x89: {  	s3 =	sld [smem:$0x3FFE];
	_ =	sdelay $0x1  }
0x8a: {  	s1 =	srdreg.scid  }
0x8b: {  	s0 =	sand.u32 $0x1, s1  }
0x8c: {  	s17 =	sshll.u32 s0, $0xA;
	s2 =	sadd.s32 s3, s2  }
0x8d: {  	s2 =	sadd.s32 s2, s17  }
0x8e: {  	[smem:$0x3FC3] =	sst s2  }
0x8f: {  	_ = 	snop  }
0x90: {  	s2 =	sld [smem:$0x3FC9]  }
0x91: {  	s18 =	sld [smem:$0x3FC8]  }
0x92: {  	s4 =	sld [smem:$0x3FC5]  }
0x93: {  	s5 =	sld [smem:$0x3FD0];
	(tm) =	ssettm $0x1  }
0x94: {  	s6 =	sld [smem:$0x3FFB];
	_ =	sdelay $0x3  }
0x95: {  	_ =	strace s6  }
0x96: {  	s6 =	sld [smem:$0x3FFC];
	_ =	sdelay $0x3  }
0x97: {  	_ =	strace s6  }
0x98: {  	s6 =	sld [smem:$0x3FFD];
	_ =	sdelay $0x3  }
0x99: {  	_ =	strace s6  }
0x9a: {  	_ =	strace $0x8FFFFFFF  }
0x9b: {  	s19 =	sld [smem:$0x3FDB];
	_ =	sdelay $0x1  }
0x9c: {  	s7 =	simm.s32 $_scs_section_size  }
0x9d: {  	s8 =	simm.s32 $_size__tile_overlayer_lowered;
	s9 =	simm.s32 $_tile_overlayer_lowered  }
0x9e: {  	s22 =	simm.s32 $0x1BFF;
	s21 =	sshll.u32 s9, $0x1;
	s6 =	sadd.s32 s7, s19  }
0x9f: {  	s10 =	simm.s32 $0x0;
	s20 =	sshll.u32 s8, $0x1;
	s8 =	sadd.s32 s21, s6  }
0xa0: {  	[timem:s10], [sflag:s22] =	dma.local [hbm:s8], s20  }
0xa1: {  	_ =	swait.ge [sflag:s22], s20  }
0xa2: {  	s7 =	ssub.s32 $0x0, s20;
	[sflag:s22] =	ssyncset.done $0x0  }
0xa3: {  	[sflag:s22] =	ssyncadd.s32 s7;
	_ =	sdelay $0x1  }
0xa4: {  	s23 =	simm.s32 $0x1B8B  }
0xa5: {  	_ =	swait.ge [sflag:s23], $0x1  }
0xa6: {  	[sflag:s23] =	ssyncset.done $0x0  }
0xa7: {  	s25 =	simm.s32 $0x1B8E;
	s24 =	sld [smem:$0x3FFE];
	[sflag:s23] =	ssyncadd.s32 $0xFFFFFFFF  }
0xa8: {  	s26 =	simm.s32 $execute0_lowered;
	[smem:$0x3FD2] =	sst s25  }
0xa9: {  	s8 =	sshll.u32 s26, $0x1;
	_ =	strace $0x80000046;
	[dreg:$0x1] =	wrdreg $0xFFFFFFFF  }
0xaa: {  	s28 =	simm.s32 $_size_execute0_lowered;
	s6 =	sadd.s32 s6, s8;
	[dreg:$0x0] =	wrdreg $0x0  }
0xab: {  	s8 =	sshll.u32 s28, $0x1;
	[dreg:$0x2] =	wrdreg s6  }
0xac: {  	[dreg:$0x3] =	wrdreg s8  }
0xad: {  	[dreg:$0x4] =	wrdreg $0xC0  }
0xae: {  	_ =	task [dreg:s10], $0x5FFFF  }
0xaf: {  	[dreg:$0x1] =	wrdreg $0xFFFFFFFF  }
0xb0: {  	[dreg:$0x0] =	wrdreg $0x60  }
0xb1: {  	[dreg:$0x2] =	wrdreg s2  }
0xb2: {  	[dreg:$0x3] =	wrdreg s18  }
0xb3: {  	[dreg:$0x4] =	wrdreg s24  }
0xb4: {  	[dreg:$0x5] =	wrdreg s4  }
0xb5: {  	[dreg:$0x6] =	wrdreg s5  }
0xb6: {  	[dreg:$0x7] =	wrdreg $0x4E600  }
0xb7: {  	[dreg:$0x8] =	wrdreg $0x9  }
0xb8: {  	_ =	task.clear_ibuf [dreg:s10], $0x9FFFF;
	_ =	strace $0x90000046  }
0xb9: {  	s29 =	simm.s32 $0x9;
	_ =	strace $0x80000048  }
0xba: {  	_ =	swait.ge [sflag:s29], $0x1  }
0xbb: {  	[sflag:s29] =	ssyncadd.s32 $0xFFFFFFFF  }
0xbc: {  	_ =	strace $0x90000048  }
0xbd: {  	_ =	sfence  }
0xbe: {  	s30 =	sld [smem:$0x0];
	_ =	sdelay $0x2  }
0xbf: {  	s31 =	sshll.u32 s1, $0xD;
	s1 =	sshrl.u32 s1, $0x2  }
0xc0: {  	s3 =	sand.u32 $0x4000, s31;
	s1 =	sadd.s32 s1, s30  }
0xc1: {  	s0 =	sor.u32 s3, s0;
	s1 =	sshll.u32 s1, $0x11  }
0xc2: {  	s0 =	sor.u32 s1, s0  }
0xc3: {  	s0 =	sadd.s32 $0x8F2B, s0  }
0xc4: {  	[sflag:s0] =	ssyncadd.remote.s32 $0x1  }
0xc5: {  	_ =	sfence.sel $0xFFFF  }
0xc6: {  	[dreg:$0x0] =	wrdreg $0xFFFFFFFF;
	(pc) =	sbr.abs _section_cstart, $3  }
0xc7: {  	[dreg:$0x1] =	wrdreg $0xFFFFFFFF  }
0xc8: {  	_ =	task.clear_ibuf [dreg:s10], $0x2FFFF;
	_ =	strace $0x9FFFFFFF  }
0xc9: {  	(tm) =	ssettm $0x7FFFFFFF  }
tec
execute0_lowered:
.L_overlay_start_1:
0x0: {  	(tag) =	ssettag $0x1  }
0x1: {  	s1 =	rddreg [dreg:$0x0]  }
0x2: {  	s2 =	rddreg [dreg:$0x1]  }
0x3: {  	s0 =	rddreg [dreg:$0x2]  }
0x4: {  	s5 =	rddreg [dreg:$0x3]  }
0x5: {  	s8 =	rddreg [dreg:$0x4]  }
0x6: {  	s3 =	rddreg [dreg:$0x5]  }
0x7: {  	s4 =	simm.s32 $0x0;
	s7 =	srdreg.scid;
	s17 =	stileid.u32  }
0x8: {  	s14 =	simm.s32 $0x4200;
	s15 =	simm.s32 $0x3;
	s18 =	simm.s32 $0x80  }
0x9: {  	s19 =	simm.s32 $0x100;
	s20 =	simm.s32 $0x200;
	s21 =	simm.s32 $0x180  }
0xa: {  	s22 =	simm.s32 $0x1200;
	s23 =	simm.s32 $0x2200;
	s24 =	simm.s32 $0x1  }
0xb: {  	s26 =	simm.s32 $0x3200;
	s28 =	simm.s32 $0x0;
	[smem:$0x7FF] =	sst s4  }
0xc: {  	s6 =	sadd.s32 $0x310600, s0;
	s10 =	sand.u32 $0x1, s7;
	s11 =	smul.u32 $0xC40, s17  }
0xd: {  	s7 =	sadd.s32 $0x493E600, s0;
	s31 =	smul.u32 $0x62000, s17;
	p0 =	slt.u32 s17, $0xA  }
0xe: {  	_ =	strace $0x80000047;
	s30 =	ssub.s32 $0x2, s10;
	s16 =	smul.u32 $0xC400, s10  }
0xf: {  	s12 =	sshll.u32 s10, $0x2;
	s10 =	smul.u32 $0x186A000, s10;
	s9 =	sshrl.u32 s30, $0x1  }
.Ltmp0:
0x10: {  	s5 =	sadd.s32 s5, s12;
	s0 =	ssub.s32 s30, s9;
	(pc) =	sbr.rel .LBB2_1-.Ltmp0, $4  }
0x11: {  	[dreg:$0x7] =	wrdreg s5;
	s25 =	sadd.s32 $0x18800, s16;
	s11 =	sadd.s32 s11, s16  }
0x12: {  	s9 =	sshll.u32 s17, $0x7;
	s5 =	sshrl.u32 s31, $0x2;
	s11 =	sshll.u32 s11, $0x2  }
0x13: {  	s17 =	simm.s32 $0x4;
	s12 =	sadd.s32 s5, s3;
	s8 =	sadd.s32 s8, s11  }
0x14: {  	v2 =	vimm.f32 $0.0e+00;
	v0 =	vmov s16;
	s13 =	smax.u32 s0, $0x1;
	v1 =	vmov s25;
	s25 =	simm.s32 $0x2;
	[dreg:$0x8] =	wrdreg s8  }
.LBB2_10:
0x15: {  	s0 =	stileid.u32;
	[bflag:$0x0] =	sbarrier.arrive $0xFFFF;
	s28 =	sadd.s32 $0x1, s28  }
0x16: {  	s5 =	sshrl.u32 s12, $0x3;
	s0 =	sshll.u32 s0, $0x6;
	p1 =	sne.s32 s28, s13  }
.Ltmp1:
0x17: {  	s8 =	rddreg [dreg:$0x8];
	s0 =	sor.u32 $0x1C03, s0;
	(pc) =	sbr.rel @!p1 .LBB2_11-.Ltmp1, $4  }
0x18: {  	[hbm:s8], [sflag:s0] =	dma.local [spmem:s5], $0x3100  }
0x19: {  	_ =	swait.ge [sflag:s15], $0x3100  }
0x1a: {  	[sflag:s15] =	ssyncset.done $0x0  }
0x1b: {  	[sflag:s15] =	ssyncadd.s32 $0xFFFFCF00  }
.LBB2_1:
0x1c: {  	s0 =	simm.s32 $0x0  }
.LBB2_2:
0x1d: {  	p1 =	sne.s32 s0, $0x3080  }
.Ltmp2:
0x1e: {  	_ = 	snop;
	(pc) =	sbr.rel @p1 .LBB2_2-.Ltmp2, $4  }
0x1f: {  	_ = 	snop  }
0x20: {  	s5 =	sshra.s32 s0, $0x2  }
0x21: {  	[tilespmem:s5+$0x4200] =	vst v2  }
0x22: {  	s0 =	sadd.s32 $0x80, s0;
	[tilespmem:s5+$0x4210] =	vst v2  }
0x23: {  	s0 =	sadd.s32 $0x0, s12  }
0x24: {  	[spmem:s0] =	stream.linear.scatter [tilespmem:s14], [sflag:$0x3], $0xC40, $0x38;
	[tilespmem:$0x1D660] =	vst v63  }
0x25: {  	s0 =	simm.s32 $0x3100;
	_ =	swait.ge [sflag:s15], $0xC40  }
.LBB2_4:
0x26: {  	s5 =	sshra.s32 s0, $0x2;
	[sflag:s15] =	ssyncset.done $0x0;
	p1 =	sne.s32 s0, $0x5EF00  }
.Ltmp3:
0x27: {  	s5 =	sadd.s32 s5, s12;
	[sflag:s15] =	ssyncadd.s32 $0xFFFFF3C0;
	(pc) =	sbr.rel @p1 .LBB2_4-.Ltmp3, $3  }
0x28: {  	[spmem:s5] =	stream.linear.scatter [tilespmem:s14], [sflag:$0x3], $0xC40, $0x38;
	[tilespmem:$0x1D660] =	vst v63  }
0x29: {  	s0 =	sadd.s32 $0x3100, s0;
	_ =	sdelay $0x1  }
0x2a: {  	_ =	swait.ge [sflag:s15], $0xC40  }
0x2b: {  	[sflag:s15] =	ssyncset.done $0x0;
	s29 =	simm.s32 $0x0  }
0x2c: {  	s0 =	rddreg [dreg:$0x7];
	s5 =	simm.s32 $0x4E40;
	[sflag:s15] =	ssyncadd.s32 $0xFFFFF3C0  }
0x2d: {  	[tilespmem:s5], [sflag:$0x3] =	stream.linear.gather [hbm4b:s0+s29], $0x20, $0x38;
	[tilespmem:$0x1D660] =	vst v63  }
0x2e: {  	_ =	swait.ge [sflag:s15], $0x20  }
0x2f: {  	[sflag:s15] =	ssyncset.done $0x0  }
0x30: {  	[sflag:s15] =	ssyncadd.s32 $0xFFFFFFE0  }
0x31: {  	[bflag:$0x0] =	sbarrier.arrive $0xFFFF  }
0x32: {  	v3 =	vld [tilespmem:$0x4E40]  }
0x33: {  	v4 =	vld [tilespmem:$0x4E50]  }
.LBB2_6:
0x34: {  	p1 =	seq.s32 @!p0 s29, $0x186  }
0x35: {  	p1 =	por p0, !p1  }
.Ltmp4:
0x36: {  	_ = 	snop;
	(pc) =	sbr.rel @!p1 .LBB2_10-.Ltmp4, $1  }
0x37: {  	_ =	sdelay $0x3  }
0x38: {  	s0 =	sshll.u32 s29, $0xB  }
0x39: {  	s5 =	sor.u32 s9, s0  }
0x3a: {  	s8 =	sshrl.u32 s5, $0x3  }
0x3b: {  	s16 =	simm.s32 $0x0;
	s11 =	sadd.s32 s1, s8  }
0x3c: {  	[tilespmem:s16], [sflag:$0x4] =	stream.linear.gather [hbm4b:s11+s16], $0x80, $0x38;
	[tilespmem:$0x1D660] =	vst v63  }
0x3d: {  	_ =	swait.ge [sflag:s17], $0x80  }
0x3e: {  	[sflag:s17] =	ssyncset.done $0x0  }
0x3f: {  	s8 =	sadd.s32 s2, s8;
	[sflag:s17] =	ssyncadd.s32 $0xFFFFFF80  }
0x40: {  	[tilespmem:s18], [sflag:$0x4] =	stream.linear.gather [hbm4b:s8+s16], $0x80, $0x38;
	[tilespmem:$0x1D660] =	vst v63  }
0x41: {  	_ =	swait.ge [sflag:s17], $0x80  }
0x42: {  	[sflag:s17] =	ssyncset.done $0x0  }
0x43: {  	[sflag:s17] =	ssyncadd.s32 $0xFFFFFF80  }
0x44: {  	v5 =	vld [tilespmem:$0x0]  }
0x45: {  	v6 =	vld [tilespmem:$0x80]  }
0x46: {  	v7 =	vld [tilespmem:$0x10]  }
0x47: {  	v8 =	vld [tilespmem:$0x90]  }
0x48: {  	v9 =	vld [tilespmem:$0x20]  }
0x49: {  	v10 =	vld [tilespmem:$0xA0];
	v5 =	vadd.s32 v0, v5  }
0x4a: {  	[tilespmem:$0x100] =	vst v5;
	v5 =	vadd.s32 v1, v6;
	v6 =	vld [tilespmem:$0x30]  }
0x4b: {  	[tilespmem:$0x180] =	vst v5;
	v5 =	vadd.s32 v0, v7;
	v7 =	vld [tilespmem:$0xB0]  }
0x4c: {  	[tilespmem:$0x110] =	vst v5;
	v5 =	vadd.s32 v1, v8;
	v8 =	vld [tilespmem:$0x40]  }
0x4d: {  	[tilespmem:$0x190] =	vst v5;
	v5 =	vadd.s32 v0, v9;
	v9 =	vld [tilespmem:$0xC0]  }
0x4e: {  	[tilespmem:$0x120] =	vst v5;
	v5 =	vadd.s32 v1, v10;
	v10 =	vld [tilespmem:$0x50]  }
0x4f: {  	[tilespmem:$0x1A0] =	vst v5;
	v5 =	vadd.s32 v0, v6;
	v6 =	vld [tilespmem:$0xD0]  }
0x50: {  	[tilespmem:$0x130] =	vst v5;
	v5 =	vadd.s32 v1, v7;
	v7 =	vld [tilespmem:$0x60]  }
0x51: {  	[tilespmem:$0x1B0] =	vst v5;
	v5 =	vadd.s32 v0, v8;
	v8 =	vld [tilespmem:$0xE0]  }
0x52: {  	[tilespmem:$0x140] =	vst v5;
	v5 =	vadd.s32 v1, v9;
	v9 =	vld [tilespmem:$0x70]  }
0x53: {  	[tilespmem:$0x1C0] =	vst v5;
	v5 =	vadd.s32 v0, v10;
	v10 =	vld [tilespmem:$0xF0]  }
0x54: {  	[tilespmem:$0x150] =	vst v5;
	v5 =	vadd.s32 v1, v6  }
0x55: {  	[tilespmem:$0x1D0] =	vst v5;
	v5 =	vadd.s32 v0, v7  }
0x56: {  	[tilespmem:$0x160] =	vst v5;
	v5 =	vadd.s32 v1, v8  }
0x57: {  	[tilespmem:$0x1E0] =	vst v5;
	v5 =	vadd.s32 v0, v9  }
0x58: {  	s5 =	sshll.u32 s5, $0x5;
	[tilespmem:$0x170] =	vst v5;
	v5 =	vadd.s32 v1, v10  }
0x59: {  	s5 =	sadd.s32 s10, s5;
	[tilespmem:$0x1F0] =	vst v5  }
0x5a: {  	[tilespmem:s20], [sflag:$0x1] =	stream.indirect.gather [hbm4b:s6+s18], $0x20, s19, s18, $0xb8;
	[tilespmem:$0x1D660] =	vst v63  }
0x5b: {  	s5 =	sshrl.u32 s5, $0x3  }
0x5c: {  	[tilespmem:s22], [sflag:$0x2] =	stream.indirect.gather [hbm4b:s6+s18], $0x20, s21, s18, $0xb8;
	[tilespmem:$0x1D660] =	vst v63  }
0x5d: {  	s5 =	sadd.s32 s7, s5  }
0x5e: {  	[tilespmem:s23], [sflag:$0x4] =	stream.linear.gather [hbm4b:s5+s16], $0x1000, $0x38;
	[tilespmem:$0x1D660] =	vst v63  }
0x5f: {  	_ =	swait.ge [sflag:s17], $0x1000  }
0x60: {  	[sflag:s17] =	ssyncset.done $0x0  }
0x61: {  	[sflag:s17] =	ssyncadd.s32 $0xFFFFF000  }
0x62: {  	_ =	swait.ge [sflag:s24], $0x1000  }
0x63: {  	[sflag:s24] =	ssyncset.done $0x0  }
0x64: {  	[sflag:s24] =	ssyncadd.s32 $0xFFFFF000  }
0x65: {  	_ =	swait.ge [sflag:s25], $0x1000  }
0x66: {  	[sflag:s25] =	ssyncset.done $0x0  }
0x67: {  	s30 =	simm.s32 $0x0;
	[sflag:s25] =	ssyncadd.s32 $0xFFFFF000  }
0x68: {  	v5 =	vld [tilespmem:s30+$0x210]  }
0x69: {  	v6 =	vld [tilespmem:s30+$0x1210];
	_ =	sdelay $0x1  }
0x6a: {  	v7 =	vld [tilespmem:s30+$0x2210];
	_ =	sdelay $0x1  }
0x6b: {  	v8 =	vld [tilespmem:s30+$0x1200]  }
0x6c: {  	v5 =	vadd.f32 v6, v5;
	v6 =	vld [tilespmem:s30+$0x200];
	_ =	sdelay $0x1  }
0x6d: {  	v9 =	vadd.f32 v7, v5;
	v5 =	vld [tilespmem:s30+$0x2200];
	_ =	sdelay $0x1  }
0x6e: {  	s31 =	simm.s32 $0x20;
	v7 =	vand.u32 $0x7FFFFFFF, v9  }
0x6f: {  	v10 =	vld [tilespmem:s31+$0x210];
	v7 =	vsub.f32 $0.0e+00, v7;
	v6 =	vadd.f32 v8, v6  }
0x70: {  	v8 =	vld [tilespmem:s31+$0x1210]  }
0x71: {  	v7 =	vmul.f32 $1.442695020e+00, v7;
	v6 =	vadd.f32 v5, v6  }
0x72: {  	v5 =	vld [tilespmem:s31+$0x2210]  }
0x73: {  	v11 =	vld [tilespmem:s31+$0x200];
	(erf) = vpow2.f32 v7;
	v7 =	vand.u32 $0x7FFFFFFF, v6  }
0x74: {  	v12 =	vld [tilespmem:s31+$0x1200];
	v7 =	vsub.f32 $0.0e+00, v7  }
0x75: {  	v8 =	vadd.f32 v8, v10  }
0x76: {  	v13 =	vld [tilespmem:s31+$0x2200];
	v10 =	vmul.f32 $1.442695020e+00, v7  }
0x77: {  	v7 =	vadd.f32 v5, v8  }
0x78: {  	(erf) = vpow2.f32 v10  }
0x79: {  	s0 =	simm.s32 $0x40;
	v8 =	vadd.f32 v12, v11;
	v5 =	vand.u32 $0x7FFFFFFF, v7  }
0x7a: {  	v14 =	vld [tilespmem:s0+$0x1210];
	v5 =	vsub.f32 $0.0e+00, v5  }
0x7b: {  	v12 =	vld [tilespmem:s0+$0x210];
	v8 =	vadd.f32 v13, v8  }
0x7c: {  	v5 =	vmul.f32 $1.442695020e+00, v5;
	v11 =	vpop (erf)  }
0x7d: {  	v15 =	vld [tilespmem:s0+$0x2210];
	v13 =	vand.u32 $0x7FFFFFFF, v8;
	v10 =	vmul.f32 $3.044900480e-02, v11  }
0x7e: {  	(erf) = vpow2.f32 v5;
	v5 =	vsub.f32 $0.0e+00, v13  }
0x7f: {  	v10 =	vadd.f32 $-1.315818280e-01, v10  }
0x80: {  	v16 =	vld [tilespmem:s0+$0x200];
	v12 =	vadd.f32 v14, v12;
	v5 =	vmul.f32 $1.442695020e+00, v5  }
0x81: {  	v17 =	vld [tilespmem:s0+$0x1200];
	v10 =	vmul.f32 v10, v11;
	v13 =	vpop (erf)  }
0x82: {  	(erf) = vpow2.f32 v5;
	v5 =	vadd.f32 v15, v12;
	v14 =	vmul.f32 $3.044900480e-02, v13  }
0x83: {  	v10 =	vadd.f32 $2.852726880e-01, v10  }
0x84: {  	v18 =	vld [tilespmem:s0+$0x2200];
	v12 =	vadd.f32 $-1.315818280e-01, v14;
	v14 =	vand.u32 $0x7FFFFFFF, v5  }
0x85: {  	v10 =	vmul.f32 v10, v11  }
0x86: {  	v15 =	vadd.f32 v17, v16  }
0x87: {  	s16 =	simm.s32 $0x60;
	v16 =	vsub.f32 $0.0e+00, v14;
	v10 =	vadd.f32 $-4.902307090e-01, v10;
	v14 =	vpop (erf)  }
0x88: {  	v20 =	vld [tilespmem:s16+$0x1210];
	v12 =	vmul.f32 v12, v13;
	v17 =	vmul.f32 $3.044900480e-02, v14  }
0x89: {  	v21 =	vld [tilespmem:s16+$0x200];
	v15 =	vadd.f32 v18, v15;
	v10 =	vmul.f32 v10, v11  }
0x8a: {  	v16 =	vmul.f32 $1.442695020e+00, v16;
	v19 =	vadd.f32 $2.852726880e-01, v12;
	v17 =	vadd.f32 $-1.315818280e-01, v17  }
0x8b: {  	v18 =	vld [tilespmem:s16+$0x210];
	v12 =	vmax.f32 v6, $0.0e+00;
	v6 =	vadd.f32 $9.992355100e-01, v10;
	v10 =	vand.u32 $0x7FFFFFFF, v15  }
0x8c: {  	v23 =	vld [tilespmem:s16+$0x1200];
	(erf) = vpow2.f32 v16;
	v16 =	vsub.f32 $0.0e+00, v10;
	v17 =	vmul.f32 v17, v14  }
0x8d: {  	v9 =	vmax.f32 v9, $0.0e+00;
	v6 =	vmul.f32 v6, v11;
	v11 =	vld [tilespmem:s16+$0x2210]  }
0x8e: {  	v19 =	vmul.f32 v19, v13;
	v10 =	vpop (erf);
	v16 =	vmul.f32 $1.442695020e+00, v16;
	v17 =	vadd.f32 $2.852726880e-01, v17  }
0x8f: {  	v22 =	vmul.f32 $3.044900480e-02, v10;
	v24 =	vadd.f32 $9.975032300e-06, v6;
	v6 =	vmax.f32 v15, $0.0e+00;
	v15 =	vld [tilespmem:s16+$0x2200]  }
0x90: {  	v18 =	vadd.f32 v20, v18;
	v19 =	vadd.f32 $-4.902307090e-01, v19;
	(erf) = vpow2.f32 v16  }
0x91: {  	v16 =	vmul.f32 v17, v14;
	v22 =	vadd.f32 $-1.315818280e-01, v22;
	v17 =	vadd.f32 v24, v9  }
0x92: {  	v8 =	vmax.f32 v8, $0.0e+00;
	v9 =	vadd.f32 v11, v18;
	v18 =	vadd.f32 v23, v21  }
0x93: {  	v11 =	vmul.f32 v19, v13;
	v16 =	vadd.f32 $-4.902307090e-01, v16;
	v20 =	vmul.f32 v22, v10  }
0x94: {  	v17 =	vadd.f32 v17, v4;
	v21 =	vand.u32 $0x7FFFFFFF, v9;
	v19 =	vadd.f32 v15, v18  }
0x95: {  	v15 =	vpop (erf);
	v23 =	vmul.f32 v16, v14;
	v20 =	vadd.f32 $2.852726880e-01, v20;
	v22 =	vsub.f32 $0.0e+00, v21  }
0x96: {  	s5 =	simm.s32 $0x80;
	v18 =	vadd.f32 $9.992355100e-01, v11;
	[tilespmem:s30+$0x3210] =	vst v17;
	v21 =	vmul.f32 $3.044900480e-02, v15;
	v11 =	vmax.f32 v19, $0.0e+00  }
0x97: {  	s8 =	simm.s32 $0x280;
	v17 =	vld [tilespmem:s5+$0x210];
	v16 =	vmul.f32 v20, v10;
	v22 =	vmul.f32 $1.442695020e+00, v22;
	v20 =	vadd.f32 $9.992355100e-01, v23  }
.LBB2_8:
0x98: {  	p1 =	sne.s32 s8, $0x3F80;
	v23 =	vld [tilespmem:s5+$0x1210];
	v19 =	vand.u32 $0x7FFFFFFF, v19;
	v21 =	vadd.f32 $-1.315818280e-01, v21;
	v18 =	vmul.f32 v18, v13  }
0x99: {  	s11 =	smov.u32 s5;
	v24 =	vld [tilespmem:s5+$0x200];
	v19 =	vsub.f32 $0.0e+00, v19;
	(erf) = vpow2.f32 v22;
	v22 =	vpop (erf);
	v27 =	vmul.f32 v20, v14  }
0x9a: {  	v16 =	vadd.f32 $-4.902307090e-01, v16;
	v13 =	vmovc v10;
	v20 =	vld [tilespmem:s11+$0x2210];
	v25 =	vmul.f32 $3.044900480e-02, v22;
	v21 =	vmul.f32 v21, v15;
	v10 =	vmovc v22  }
0x9b: {  	v14 =	vmovc v15;
	v18 =	vadd.f32 $9.975032300e-06, v18;
	v22 =	vld [tilespmem:s11+$0x1200];
	v19 =	vmul.f32 $1.442695020e+00, v19;
	v26 =	vadd.f32 $9.975032300e-06, v27  }
0x9c: {  	v27 =	vmax.f32 v7, $0.0e+00;
	v7 =	vmovc v5;
	v5 =	vmovc v9;
	v15 =	vld [tilespmem:s11+$0x2200];
	v25 =	vadd.f32 $-1.315818280e-01, v25;
	v21 =	vadd.f32 $2.852726880e-01, v21  }
0x9d: {  	v9 =	vadd.f32 v23, v17;
	(erf) = vpow2.f32 v19;
	v17 =	vadd.f32 v26, v27  }
0x9e: {  	v18 =	vadd.f32 v18, v12;
	v12 =	vmovc v8;
	v19 =	vmul.f32 v25, v10;
	v21 =	vmul.f32 v21, v14  }
0x9f: {  	v8 =	vmovc v6;
	v9 =	vadd.f32 v20, v9;
	v20 =	vmul.f32 v16, v13;
	v16 =	vadd.f32 v17, v4  }
.Ltmp5:
0xa0: {  	v6 =	vmov v11;
	v17 =	vadd.f32 v22, v24;
	v21 =	vadd.f32 $-4.902307090e-01, v21;
	(pc) =	sbr.rel @p1 .LBB2_8-.Ltmp5, $4  }
0xa1: {  	v23 =	vadd.f32 v18, v3;
	v22 =	vadd.f32 $2.852726880e-01, v19;
	v11 =	vand.u32 $0x7FFFFFFF, v9;
	[tilespmem:s31+$0x3210] =	vst v16  }
0xa2: {  	v19 =	vadd.f32 v15, v17;
	v24 =	vsub.f32 $0.0e+00, v11;
	v15 =	vpop (erf);
	v25 =	vmul.f32 v21, v14  }
0xa3: {  	s5 =	sshra.s32 s8, $0x2;
	v18 =	vadd.f32 $9.992355100e-01, v20;
	v16 =	vmul.f32 v22, v10;
	v21 =	vmul.f32 $3.044900480e-02, v15;
	[tilespmem:s30+$0x3200] =	vst v23;
	s30 =	smov.u32 s31;
	s31 =	smov.u32 s0  }
0xa4: {  	s8 =	sadd.s32 $0x80, s8;
	s0 =	smov.u32 s16;
	s16 =	smov.u32 s11;
	v17 =	vld [tilespmem:s5+$0x210];
	v11 =	vmax.f32 v19, $0.0e+00;
	v22 =	vmul.f32 $1.442695020e+00, v24;
	v20 =	vadd.f32 $9.992355100e-01, v25  }
0xa5: {  	v23 =	vld [tilespmem:s5+$0x1210]  }
0xa6: {  	v24 =	vld [tilespmem:s5+$0x200]  }
0xa7: {  	v25 =	vld [tilespmem:s5+$0x2210]  }
0xa8: {  	v26 =	vld [tilespmem:s5+$0x1200];
	_ =	sdelay $0x1  }
0xa9: {  	v27 =	vld [tilespmem:s5+$0x2200]  }
0xaa: {  	v17 =	vadd.f32 v23, v17;
	_ =	sdelay $0x1  }
0xab: {  	v29 =	vadd.f32 v26, v24;
	v17 =	vadd.f32 v25, v17  }
0xac: {  	v19 =	vand.u32 $0x7FFFFFFF, v19  }
0xad: {  	v19 =	vsub.f32 $0.0e+00, v19;
	v23 =	vadd.f32 v27, v29;
	v30 =	vand.u32 $0x7FFFFFFF, v17  }
0xae: {  	v31 =	vsub.f32 $0.0e+00, v30  }
0xaf: {  	(erf) = vpow2.f32 v22;
	v19 =	vmul.f32 $1.442695020e+00, v19;
	v32 =	vand.u32 $0x7FFFFFFF, v23  }
0xb0: {  	v24 =	vsub.f32 $0.0e+00, v32;
	v22 =	vmul.f32 $1.442695020e+00, v31  }
0xb1: {  	(erf) = vpow2.f32 v19  }
0xb2: {  	v21 =	vadd.f32 $-1.315818280e-01, v21;
	v33 =	vpop (erf);
	v34 =	vmul.f32 $1.442695020e+00, v24;
	(erf) = vpow2.f32 v22  }
0xb3: {  	v13 =	vmul.f32 v18, v13  }
0xb4: {  	v16 =	vadd.f32 $-4.902307090e-01, v16;
	v21 =	vmul.f32 v21, v15;
	(erf) = vpow2.f32 v34  }
0xb5: {  	v14 =	vmul.f32 v20, v14  }
0xb6: {  	v13 =	vadd.f32 $9.975032300e-06, v13;
	v16 =	vmul.f32 v16, v10;
	v21 =	vadd.f32 $2.852726880e-01, v21  }
0xb7: {  	v7 =	vmax.f32 v7, $0.0e+00;
	v35 =	vmul.f32 $3.044900480e-02, v33;
	v14 =	vadd.f32 $9.975032300e-06, v14  }
0xb8: {  	v12 =	vadd.f32 v13, v12;
	v16 =	vadd.f32 $9.992355100e-01, v16;
	v36 =	vmul.f32 v21, v15;
	v37 =	vpop (erf)  }
0xb9: {  	v18 =	vadd.f32 $-1.315818280e-01, v35;
	v7 =	vadd.f32 v14, v7;
	v38 =	vmul.f32 $3.044900480e-02, v37  }
0xba: {  	v12 =	vadd.f32 v12, v3;
	v48 =	vmul.f32 v16, v10;
	v20 =	vadd.f32 $-4.902307090e-01, v36;
	v41 =	vpop (erf)  }
0xbb: {  	v18 =	vmul.f32 v18, v33;
	v7 =	vadd.f32 v7, v4;
	v14 =	vadd.f32 $-1.315818280e-01, v38;
	v42 =	vpop (erf)  }
0xbc: {  	v10 =	vadd.f32 $9.975032300e-06, v48;
	v40 =	vmul.f32 v20, v15;
	v43 =	vmul.f32 $3.044900480e-02, v42  }
0xbd: {  	v39 =	vadd.f32 $2.852726880e-01, v18;
	v14 =	vmul.f32 v14, v37;
	v45 =	vmul.f32 $3.044900480e-02, v41;
	v46 =	vpop (erf)  }
0xbe: {  	v8 =	vadd.f32 v10, v8;
	v47 =	vmul.f32 $3.044900480e-02, v46;
	v24 =	vadd.f32 $-1.315818280e-01, v43  }
0xbf: {  	v13 =	vmul.f32 v39, v33;
	v14 =	vadd.f32 $2.852726880e-01, v14;
	v49 =	vadd.f32 $-1.315818280e-01, v45  }
0xc0: {  	v18 =	vadd.f32 $9.992355100e-01, v40;
	v51 =	vadd.f32 $-1.315818280e-01, v47;
	v50 =	vmul.f32 v24, v42  }
0xc1: {  	v13 =	vadd.f32 $-4.902307090e-01, v13;
	v14 =	vmul.f32 v14, v37;
	v16 =	vmul.f32 v49, v41  }
0xc2: {  	v44 =	vmul.f32 v18, v15;
	v24 =	vmul.f32 v51, v46;
	v18 =	vadd.f32 $2.852726880e-01, v50  }
0xc3: {  	v14 =	vadd.f32 $-4.902307090e-01, v14;
	v52 =	vadd.f32 $2.852726880e-01, v16  }
0xc4: {  	v55 =	vmul.f32 v13, v33;
	v54 =	vadd.f32 $2.852726880e-01, v24;
	v53 =	vmul.f32 v18, v42  }
0xc5: {  	v15 =	vadd.f32 $9.975032300e-06, v44;
	v14 =	vmul.f32 v14, v37;
	v56 =	vmul.f32 v52, v41  }
0xc6: {  	v10 =	vadd.f32 $9.992355100e-01, v55;
	v58 =	vmul.f32 v54, v46;
	v57 =	vadd.f32 $-4.902307090e-01, v53  }
0xc7: {  	v5 =	vmax.f32 v5, $0.0e+00;
	v14 =	vadd.f32 $9.992355100e-01, v14;
	v13 =	vadd.f32 $-4.902307090e-01, v56  }
0xc8: {  	v5 =	vadd.f32 v15, v5;
	v16 =	vadd.f32 $-4.902307090e-01, v58;
	v15 =	vmul.f32 v57, v42  }
0xc9: {  	v8 =	vadd.f32 v8, v3;
	v14 =	vmul.f32 v14, v37;
	v13 =	vmul.f32 v13, v41  }
0xca: {  	v10 =	vmul.f32 v10, v33;
	v16 =	vmul.f32 v16, v46;
	v15 =	vadd.f32 $9.992355100e-01, v15  }
0xcb: {  	v9 =	vmax.f32 v9, $0.0e+00;
	v14 =	vadd.f32 $9.975032300e-06, v14;
	v13 =	vadd.f32 $9.992355100e-01, v13  }
0xcc: {  	v10 =	vadd.f32 $9.975032300e-06, v10;
	v16 =	vadd.f32 $9.992355100e-01, v16;
	v15 =	vmul.f32 v15, v42  }
0xcd: {  	v5 =	vadd.f32 v5, v4;
	v9 =	vadd.f32 v14, v9;
	v13 =	vmul.f32 v13, v41  }
0xce: {  	[tilespmem:s31+$0x3210] =	vst v7;
	v6 =	vadd.f32 v10, v6;
	v59 =	vmul.f32 v16, v46;
	v7 =	vadd.f32 $9.975032300e-06, v15  }
0xcf: {  	v61 =	vmax.f32 v17, $0.0e+00;
	[tilespmem:s30+$0x3200] =	vst v12;
	v9 =	vadd.f32 v9, v4;
	v60 =	vadd.f32 $9.975032300e-06, v13  }
0xd0: {  	[tilespmem:s0+$0x3210] =	vst v5;
	v5 =	vadd.f32 v7, v61;
	v7 =	vadd.f32 $9.975032300e-06, v59  }
0xd1: {  	v62 =	vmax.f32 v23, $0.0e+00;
	[tilespmem:s31+$0x3200] =	vst v8;
	v6 =	vadd.f32 v6, v3;
	v63 =	vadd.f32 v60, v11  }
0xd2: {  	[tilespmem:s16+$0x3210] =	vst v9;
	v5 =	vadd.f32 v5, v4;
	v7 =	vadd.f32 v7, v62  }
0xd3: {  	[tilespmem:s0+$0x3200] =	vst v6;
	v6 =	vadd.f32 v63, v3  }
0xd4: {  	[tilespmem:s5+$0x3210] =	vst v5;
	v5 =	vadd.f32 v7, v3  }
0xd5: {  	s29 =	sadd.s32 $0x1, s29;
	[tilespmem:s16+$0x3200] =	vst v6  }
0xd6: {  	p1 =	sne.s32 s29, $0x187;
	[tilespmem:s5+$0x3200] =	vst v5  }
0xd7: {  	[spmem:s3] =	stream.indirect.scatter.add.f32 [tilespmem:s26], [sflag:$0x3], $0x20, s4, s18, $0xb8;
	[tilespmem:$0x1D660] =	vst v63  }
.Ltmp6:
0xd8: {  	_ = 	snop;
	(pc) =	sbr.rel @p1 .LBB2_6-.Ltmp6, $4  }
.Ltmp7:
0xd9: {  	_ = 	snop;
	(pc) =	sbr.rel @!p1 .LBB2_10-.Ltmp7, $4  }
0xda: {  	_ =	swait.ge [sflag:s15], $0x1000  }
0xdb: {  	[sflag:s15] =	ssyncset.done $0x0  }
0xdc: {  	[sflag:s15] =	ssyncadd.s32 $0xFFFFF000  }
0xdd: {  	_ = 	snop  }
.LBB2_11:
0xde: {  	_ =	sfence.sel $0x180000  }
0xdf: {  	[bflag:$0x0] =	sbarrier.arrive $0xFFFF  }
0xe0: {  	_ =	strace $0x90000047  }
0xe1: {  	s0 =	stileid.u32;
	[bflag:$0x2] =	sbarrier.arrive $0xFFFF  }
0xe2: {  	p0 =	sne.s32 s0, $0x0;
	s0 =	rddreg [dreg:$0x6]  }
0xe3: {  	s0 =	sadd.s32 @!p0 $0x100000, s0  }
0xe4: {  	[sflag:s0] =	ssyncadd.tile.s32 @!p0 $0x1;
	_ =	shalt  }
.Lfunc_end2:
_tile_overlayer_lowered:
.L_overlay_start_2:
0xe5: {  	(tag) =	ssettag $0x2  }
0xe6: {  	s0 =	rddreg [dreg:$0x0];
	s2 =	stileid.u32  }
0xe7: {  	s1 =	rddreg [dreg:$0x1];
	p0 =	sne.s32 s2, $0x0  }
0xe8: {  	s3 =	rddreg [dreg:$0x2];
	[bflag:$0x3] =	sbarrier.arrive $0xFFFF;
	s2 =	simm.s32 @!p0 $0x1C03  }
0xe9: {  	[timem:s3], [sflag:s2] =	dma.local @!p0 [hbm:s0], s1  }
0xea: {  	s0 =	simm.s32 @!p0 $0x3  }
0xeb: {  	_ =	swait.ge @!p0 [sflag:s0], s1  }
0xec: {  	s1 =	ssub.s32 @!p0 $0x0, s1;
	[sflag:s0] =	ssyncset.done @!p0 $0x0  }
0xed: {  	[sflag:s0] =	ssyncadd.s32 @!p0 s1  }
0xee: {  	[bflag:$0x3] =	sbarrier.arrive $0xFFFF  }
0xef: {  	_ =	shalt  }

</sc_bundles>
